<compile_context>
chip_gen: v7x
topology: tpu7x:2x2x1
jax: 0.10.2.dev20260603
libtpu: 0.0.44.dev20260713+nightly
codegen_flags: <defaults>
</compile_context>

<pallas_src>
import jax
import jax.numpy as jnp
from jax import lax
from jax.experimental import pallas as pl
from jax.experimental.pallas import tpu as pltpu
from jax.experimental.pallas import tpu_sc as plsc

N = 20000
D = 512
N_INS = 8
LANES = 16
NTILES = 16
CHUNK = 1280
LAST_BASE = N - CHUNK
LAST_LO = (NTILES - 1) * CHUNK
INNER = 4
OUTER = CHUNK // (LANES * INNER)
BIG_I = 2 ** 30
SENT = -2.0
MASKED = -3.0


def _insert_step(v, gi, ms, mi):
    c = [v > m for m in ms]
    nm = [jnp.where(c[0], v, ms[0])]
    ni = [jnp.where(c[0], gi, mi[0])]
    for k in range(1, N_INS):
        nm.append(jnp.where(c[k], jnp.where(c[k - 1], ms[k - 1], v), ms[k]))
        ni.append(jnp.where(c[k], jnp.where(c[k - 1], mi[k - 1], gi), mi[k]))
    return nm, ni


def _extract8(ms, mi, iota):
    def round_body(r, st):
        selv, seli, pv, pi = st
        m = jnp.full((LANES,), SENT, jnp.float32)
        ii = jnp.full((LANES,), BIG_I, jnp.int32)
        for k in range(N_INS):
            v, gi = ms[k], mi[k]
            elig = (v < pv) | ((v == pv) & (gi > pi))
            veff = jnp.where(elig, v, jnp.float32(SENT))
            upd = veff > m
            m = jnp.where(upd, veff, m)
            ii = jnp.where(upd, gi, ii)
        mval = jnp.max(m)
        midx = jnp.min(jnp.where(m == mval, ii, BIG_I))
        selv = jnp.where(iota == r, mval, selv)
        seli = jnp.where(iota == r, midx, seli)
        return (selv, seli, mval, midx)

    st0 = (jnp.full((LANES,), SENT, jnp.float32),
           jnp.zeros((LANES,), jnp.int32),
           jnp.float32(2.0), jnp.int32(-1))
    selv, seli, _, _ = lax.fori_loop(0, N_INS, round_body, st0)
    return selv, seli


def _fresh_state():
    return ([jnp.full((LANES,), SENT, jnp.float32) for _ in range(N_INS)],
            [jnp.full((LANES,), BIG_I, jnp.int32) for _ in range(N_INS)])


WB_OFF = N
WB_LEN = 8 + 2 * D
W_OFF = 8


def _sc_body(pk_hbm, h_hbm, probs_hbm, lab_hbm,
             a_v, st_f, st_i, spm_f, spm_i, cand_f, cand_i,
             idx_v, rows_v, wb_v, o0_v, o1_v, lab_v, sem, sem2):
    cid = lax.axis_index("c")
    sid = lax.axis_index("s")
    iota = lax.iota(jnp.int32, LANES)
    last = sid == NTILES - 1
    base = jnp.where(last, LAST_BASE, sid * CHUNK)
    lo = jnp.where(last, LAST_LO, 0)

    copy_a = pltpu.async_copy(pk_hbm.at[pl.ds(base, CHUNK)], a_v, sem)

    @pl.when(sid == 0)
    def _():
        pltpu.async_copy(pk_hbm.at[pl.ds(WB_OFF, WB_LEN)], wb_v, sem2)

    copy_a.wait()

    sgn = jnp.where(cid == 0, jnp.float32(1.0), jnp.float32(-1.0))
    bi = base + iota

    def scan_body(j, st):
        ms, mi = list(st[0]), list(st[1])
        off0 = j * (LANES * INNER)
        for k in range(INNER):
            off = off0 + k * LANES
            gi = bi + off
            v = a_v[pl.ds(off, LANES)] * sgn
            v = jnp.where(gi >= lo, v, jnp.float32(MASKED))
            ms, mi = _insert_step(v, gi, ms, mi)
        return (tuple(ms), tuple(mi))

    ms0, mi0 = _fresh_state()
    ms, mi = lax.fori_loop(0, OUTER, scan_body, (tuple(ms0), tuple(mi0)))
    selv, seli = _extract8(list(ms), list(mi), iota)

    st_f[...] = selv
    st_i[...] = seli
    pltpu.sync_copy(st_f, spm_f.at[pl.ds(sid * LANES, LANES)])
    pltpu.sync_copy(st_i, spm_i.at[pl.ds(sid * LANES, LANES)])
    plsc.subcore_barrier()

    @pl.when(sid == 0)
    def _():
        pltpu.sync_copy(spm_f, cand_f)
        pltpu.sync_copy(spm_i, cand_i)

        def merge_body(t, st):
            ms, mi = list(st[0]), list(st[1])
            v = cand_f[pl.ds(t * LANES, LANES)]
            gi = cand_i[pl.ds(t * LANES, LANES)]
            ms, mi = _insert_step(v, gi, ms, mi)
            return (tuple(ms), tuple(mi))

        ms0, mi0 = _fresh_state()
        ms, mi = lax.fori_loop(0, NTILES, merge_body, (tuple(ms0), tuple(mi0)))
        _, gsel = _extract8(list(ms), list(mi), iota)

        idx_v[...] = jnp.where(iota < N_INS, gsel, 0)
        pltpu.async_copy(h_hbm.at[idx_v], rows_v, sem).wait()

        pltpu.make_async_copy(pk_hbm.at[pl.ds(WB_OFF, WB_LEN)], wb_v,
                              sem2).wait()

        def mm_body(j, st):
            a0s, a1s = list(st[0]), list(st[1])
            wt0 = wb_v[pl.ds(W_OFF + j * LANES, LANES)]
            wt1 = wb_v[pl.ds(W_OFF + D + j * LANES, LANES)]
            for i in range(N_INS):
                rv = rows_v[i, 0, pl.ds(j * LANES, LANES)]
                a0s[i] = a0s[i] + rv * wt0
                a1s[i] = a1s[i] + rv * wt1
            return (tuple(a0s), tuple(a1s))

        z = [jnp.zeros((LANES,), jnp.float32) for _ in range(N_INS)]
        a0s, a1s = lax.fori_loop(0, D // LANES, mm_body,
                                 (tuple(z), tuple(z)))
        l0 = jnp.zeros((LANES,), jnp.float32)
        l1 = jnp.zeros((LANES,), jnp.float32)
        for i in range(N_INS):
            l0 = jnp.where(iota == i, jnp.sum(a0s[i]), l0)
            l1 = jnp.where(iota == i, jnp.sum(a1s[i]), l1)

        bv = wb_v[pl.ds(0, LANES)]
        l0 = l0 + bv[0]
        l1 = l1 + bv[1]
        o0_v[...] = 1.0 / (1.0 + jnp.exp(l1 - l0))
        o1_v[...] = 1.0 / (1.0 + jnp.exp(l0 - l1))
        pltpu.sync_copy(o0_v.at[pl.ds(0, N_INS)],
                        probs_hbm.at[pl.ds(cid * N_INS, N_INS)])
        pltpu.sync_copy(o1_v.at[pl.ds(0, N_INS)],
                        probs_hbm.at[pl.ds(2 * N_INS + cid * N_INS, N_INS)])

        lab_v[...] = jnp.broadcast_to(1 - cid, (LANES,)).astype(jnp.int32)
        pltpu.sync_copy(lab_v.at[pl.ds(0, N_INS)],
                        lab_hbm.at[pl.ds(cid * N_INS, N_INS)])


@jax.jit
def _sc_call(packed, h):
    mesh = plsc.VectorSubcoreMesh(core_axis_name="c", subcore_axis_name="s")
    fn = pl.kernel(
        _sc_body,
        mesh=mesh,
        out_type=[jax.ShapeDtypeStruct((4 * N_INS,), jnp.float32),
                  jax.ShapeDtypeStruct((2 * N_INS,), jnp.int32)],
        compiler_params=pltpu.CompilerParams(
            needs_layout_passes=False, use_tc_tiling_on_sc=False,
            disable_bounds_checks=True, disable_semaphore_checks=True),
        scratch_types=[
            pltpu.VMEM((CHUNK,), jnp.float32),
            pltpu.VMEM((LANES,), jnp.float32),
            pltpu.VMEM((LANES,), jnp.int32),
            pltpu.VMEM_SHARED((NTILES * LANES,), jnp.float32),
            pltpu.VMEM_SHARED((NTILES * LANES,), jnp.int32),
            pltpu.VMEM((NTILES * LANES,), jnp.float32),
            pltpu.VMEM((NTILES * LANES,), jnp.int32),
            pltpu.VMEM((LANES,), jnp.int32),
            pltpu.VMEM((LANES, 1, D), jnp.float32),
            pltpu.VMEM((8 + 2 * D,), jnp.float32),
            pltpu.VMEM((LANES,), jnp.float32),
            pltpu.VMEM((LANES,), jnp.float32),
            pltpu.VMEM((LANES,), jnp.int32),
            pltpu.SemaphoreType.DMA,
            pltpu.SemaphoreType.DMA,
        ],
    )
    return fn(packed, h)


def kernel(h, A, W, b, bag_label):
    a_i = A[:, 0, bag_label]
    packed = jnp.concatenate(
        [a_i, b, jnp.zeros((6,), jnp.float32), W.T.reshape(2 * D)])
    probs_flat, labels = _sc_call(packed, h)
    logits = probs_flat.reshape(2, 2 * N_INS).T.reshape(2 * N_INS, 1, 2)
    return labels, logits

# --- scband reference (transcript-rebuilt; emitter-appended) ---
"""Pipeline reference for scband-ins-48438641164491 (READ-ONLY COPY).

The authoritative reference and input builder live on the scoring server;
editing this copy changes nothing except your own understanding.
"""

import jax, jax.numpy as jnp
import numpy as np

N = 20000
D = 512
N_CLASS = 2
N_INS = 8


def setup_inputs(seed: int = 0) -> dict:
    key = jax.random.key(seed)
    k1, k2, k3 = jax.random.split(key, 3)
    h = jax.random.normal(k1, (N, 1, D), dtype=jnp.float32)
    A = jax.random.uniform(k2, (N, 1, N_CLASS), dtype=jnp.float32)
    # Dense layer params (Instance_Classifier_Layer): units=n_class
    W = jax.random.normal(k3, (D, N_CLASS), dtype=jnp.float32) * 0.02
    b = jnp.zeros((N_CLASS,), dtype=jnp.float32)
    bag_label = 1
    return {"h": h, "A": A, "W": W, "b": b, "bag_label": bag_label}


def reference(h, A, W, b, bag_label):
    # mut_ex=False: only the i == bag_label branch (in_call) executes.
    # A_I = [A[j][0][bag_label] for j in range(len(A))]
    A_I = A[:, 0, bag_label]
    pos_label = jnp.ones((N_INS,), dtype=jnp.int32)
    neg_label = jnp.zeros((N_INS,), dtype=jnp.int32)
    ins_label_in = jnp.concatenate([pos_label, neg_label], axis=0)
    # top-k positive instance ids over all N instances
    _, top_pos_ids = jax.lax.top_k(A_I, N_INS)
    top_pos = h[top_pos_ids]            # [n_ins, 1, D] gather
    # top-k negative instance ids (top_k of -A_I)
    _, top_neg_ids = jax.lax.top_k(-A_I, N_INS)
    top_neg = h[top_neg_ids]            # [n_ins, 1, D] gather
    ins_in = jnp.concatenate([top_pos, top_neg], axis=0)  # [2*n_ins, 1, D]
    # per-instance Dense(n_class) followed by softmax (loop vectorized)
    logits_in = jax.nn.softmax(jnp.einsum('bod,dc->boc', ins_in, W) + b, axis=-1)  # [2*n_ins, 1, n_class]
    return (ins_label_in, logits_in)

if __name__ == "__main__":
    import jax
    _d = setup_inputs()
    print(jax.jit(kernel)(*tuple(_d.values())))

</pallas_src>

<mosaic_0001>
#map = affine_map<(d0, d1) -> (0)>
#map1 = affine_map<(d0, d1) -> (0, 0, 0)>
module attributes {stable_mosaic.version = 14 : i64} {
  func.func @_sc_body(%arg0: i32, %arg1: i32, %arg2: memref<21032xf32, #tpu.memory_space<hbm>>, %arg3: memref<20000x1x512xf32, #tpu.memory_space<hbm>>, %arg4: memref<32xf32, #tpu.memory_space<hbm>>, %arg5: memref<16xi32, #tpu.memory_space<hbm>>, %arg6: memref<1280xf32, #tpu.memory_space<vmem>>, %arg7: memref<16xf32, #tpu.memory_space<vmem>>, %arg8: memref<16xi32, #tpu.memory_space<vmem>>, %arg9: memref<256xf32, #tpu.memory_space<vmem_shared>>, %arg10: memref<256xi32, #tpu.memory_space<vmem_shared>>, %arg11: memref<256xf32, #tpu.memory_space<vmem>>, %arg12: memref<256xi32, #tpu.memory_space<vmem>>, %arg13: memref<16xi32, #tpu.memory_space<vmem>>, %arg14: memref<16x1x512xf32, #tpu.memory_space<vmem>>, %arg15: memref<1032xf32, #tpu.memory_space<vmem>>, %arg16: memref<16xf32, #tpu.memory_space<vmem>>, %arg17: memref<16xf32, #tpu.memory_space<vmem>>, %arg18: memref<16xi32, #tpu.memory_space<vmem>>, %arg19: memref<!tpu.dma_semaphore, #tpu.memory_space<semaphore_mem>>, %arg20: memref<!tpu.dma_semaphore, #tpu.memory_space<semaphore_mem>>) attributes {dimension_semantics = [#tpu.dimension_semantics<core_parallel>, #tpu.dimension_semantics<subcore_parallel>], iteration_bounds = array<i64: 2, 16>, scalar_prefetch = 0 : i64, scratch_operands = 15 : i64, tpu.core_type = #tpu.core_type<sc_vector_subcore>, window_params = [{transform_indices = #map}, {transform_indices = #map1}, {transform_indices = #map}, {transform_indices = #map}]} {
    %iota3A = tpu.iota {dimensions = array<i32: 0>} : vector<16xi32>
    %eq3A = arith.constant 15 : i32
    %eq3A_0 = arith.cmpi eq, %arg1, %eq3A : i32
    %mul3A = arith.constant 1280 : i32
    %mul3A_1 = arith.muli %arg1, %mul3A : i32
    %jit3A = arith.constant 18720 : i32
    %select_n3A = arith.select %eq3A_0, %jit3A, %mul3A_1 : i32
    %jit3A_2 = arith.constant 19200 : i32
    %jit3A_3 = arith.constant 0 : i32
    %select_n3A_4 = arith.select %eq3A_0, %jit3A_2, %jit3A_3 : i32
    %dma_start3A = tpu.memref_slice %arg2[%select_n3A] : memref<21032xf32, #tpu.memory_space<hbm>> -> memref<1280xf32, #tpu.memory_space<hbm>>
    %dma_start3A_5 = tpu.memref_slice %arg2[%select_n3A] : memref<21032xf32, #tpu.memory_space<hbm>> -> memref<1280xf32, #tpu.memory_space<hbm>>
    tpu.enqueue_dma source(%dma_start3A_5 : memref<1280xf32, #tpu.memory_space<hbm>>) target(%arg6 : memref<1280xf32, #tpu.memory_space<vmem>>) target_semaphore(%arg19 : memref<!tpu.dma_semaphore, #tpu.memory_space<semaphore_mem>>)
    %eq3A_6 = arith.constant 0 : i32
    %eq3A_7 = arith.cmpi eq, %arg1, %eq3A_6 : i32
    %convert_element_type3A = arith.extui %eq3A_7 : i1 to i32
    %cond3A = arith.constant 0 : i32
    %cond3A_8 = arith.cmpi ne, %convert_element_type3A, %cond3A : i32
    scf.if %cond3A_8 {
      %dma_start3A_76 = arith.constant 20000 : i32
      %dma_start3A_77 = tpu.memref_slice %arg2[%dma_start3A_76] : memref<21032xf32, #tpu.memory_space<hbm>> -> memref<1032xf32, #tpu.memory_space<hbm>>
      %dma_start3A_78 = arith.constant 20000 : i32
      %dma_start3A_79 = tpu.memref_slice %arg2[%dma_start3A_78] : memref<21032xf32, #tpu.memory_space<hbm>> -> memref<1032xf32, #tpu.memory_space<hbm>>
      tpu.enqueue_dma source(%dma_start3A_79 : memref<1032xf32, #tpu.memory_space<hbm>>) target(%arg15 : memref<1032xf32, #tpu.memory_space<vmem>>) target_semaphore(%arg20 : memref<!tpu.dma_semaphore, #tpu.memory_space<semaphore_mem>>)
    } else {
    }
    %dma_wait3A = tpu.memref_slice %arg2[%select_n3A] : memref<21032xf32, #tpu.memory_space<hbm>> -> memref<1280xf32, #tpu.memory_space<hbm>>
    %dma_wait3A_9 = tpu.memref_slice %arg2[%select_n3A] : memref<21032xf32, #tpu.memory_space<hbm>> -> memref<1280xf32, #tpu.memory_space<hbm>>
    tpu.wait_dma2 semaphore(%arg19 : memref<!tpu.dma_semaphore, #tpu.memory_space<semaphore_mem>>) src(%dma_wait3A_9 : memref<1280xf32, #tpu.memory_space<hbm>>) dst(%arg6 : memref<1280xf32, #tpu.memory_space<vmem>>)
    %eq3A_10 = arith.constant 0 : i32
    %eq3A_11 = arith.cmpi eq, %arg0, %eq3A_10 : i32
    %jit3A_12 = arith.constant 1.000000e+00 : f32
    %jit3A_13 = arith.constant -1.000000e+00 : f32
    %select_n3A_14 = arith.select %eq3A_11, %jit3A_12, %jit3A_13 : f32
    %add3A = vector.broadcast %select_n3A : i32 to vector<16xi32>
    %add3A_15 = arith.addi %add3A, %iota3A : vector<16xi32>
    %broadcast_in_dim3A = arith.constant -2.000000e+00 : f32
    %broadcast_in_dim3A_16 = vector.broadcast %broadcast_in_dim3A : f32 to vector<16xf32>
    %broadcast_in_dim3A_17 = arith.constant -2.000000e+00 : f32
    %broadcast_in_dim3A_18 = vector.broadcast %broadcast_in_dim3A_17 : f32 to vector<16xf32>
    %broadcast_in_dim3A_19 = arith.constant -2.000000e+00 : f32
    %broadcast_in_dim3A_20 = vector.broadcast %broadcast_in_dim3A_19 : f32 to vector<16xf32>
    %broadcast_in_dim3A_21 = arith.constant -2.000000e+00 : f32
    %broadcast_in_dim3A_22 = vector.broadcast %broadcast_in_dim3A_21 : f32 to vector<16xf32>
    %broadcast_in_dim3A_23 = arith.constant -2.000000e+00 : f32
    %broadcast_in_dim3A_24 = vector.broadcast %broadcast_in_dim3A_23 : f32 to vector<16xf32>
    %broadcast_in_dim3A_25 = arith.constant -2.000000e+00 : f32
    %broadcast_in_dim3A_26 = vector.broadcast %broadcast_in_dim3A_25 : f32 to vector<16xf32>
    %broadcast_in_dim3A_27 = arith.constant -2.000000e+00 : f32
    %broadcast_in_dim3A_28 = vector.broadcast %broadcast_in_dim3A_27 : f32 to vector<16xf32>
    %broadcast_in_dim3A_29 = arith.constant -2.000000e+00 : f32
    %broadcast_in_dim3A_30 = vector.broadcast %broadcast_in_dim3A_29 : f32 to vector<16xf32>
    %broadcast_in_dim3A_31 = arith.constant 1073741824 : i32
    %broadcast_in_dim3A_32 = vector.broadcast %broadcast_in_dim3A_31 : i32 to vector<16xi32>
    %broadcast_in_dim3A_33 = arith.constant 1073741824 : i32
    %broadcast_in_dim3A_34 = vector.broadcast %broadcast_in_dim3A_33 : i32 to vector<16xi32>
    %broadcast_in_dim3A_35 = arith.constant 1073741824 : i32
    %broadcast_in_dim3A_36 = vector.broadcast %broadcast_in_dim3A_35 : i32 to vector<16xi32>
    %broadcast_in_dim3A_37 = arith.constant 1073741824 : i32
    %broadcast_in_dim3A_38 = vector.broadcast %broadcast_in_dim3A_37 : i32 to vector<16xi32>
    %broadcast_in_dim3A_39 = arith.constant 1073741824 : i32
    %broadcast_in_dim3A_40 = vector.broadcast %broadcast_in_dim3A_39 : i32 to vector<16xi32>
    %broadcast_in_dim3A_41 = arith.constant 1073741824 : i32
    %broadcast_in_dim3A_42 = vector.broadcast %broadcast_in_dim3A_41 : i32 to vector<16xi32>
    %broadcast_in_dim3A_43 = arith.constant 1073741824 : i32
    %broadcast_in_dim3A_44 = vector.broadcast %broadcast_in_dim3A_43 : i32 to vector<16xi32>
    %broadcast_in_dim3A_45 = arith.constant 1073741824 : i32
    %broadcast_in_dim3A_46 = vector.broadcast %broadcast_in_dim3A_45 : i32 to vector<16xi32>
    %scan3A = arith.constant 0 : i32
    %scan3A_47 = arith.constant 20 : i32
    %scan3A_48 = arith.addi %scan3A, %scan3A_47 : i32
    %scan3A_49 = arith.constant 1 : i32
    %scan3A_50:16 = scf.for %scan3A_76 = %scan3A to %scan3A_48 step %scan3A_49 iter_args(%scan3A_77 = %broadcast_in_dim3A_16, %scan3A_78 = %broadcast_in_dim3A_18, %scan3A_79 = %broadcast_in_dim3A_20, %scan3A_80 = %broadcast_in_dim3A_22, %scan3A_81 = %broadcast_in_dim3A_24, %scan3A_82 = %broadcast_in_dim3A_26, %scan3A_83 = %broadcast_in_dim3A_28, %scan3A_84 = %broadcast_in_dim3A_30, %scan3A_85 = %broadcast_in_dim3A_32, %scan3A_86 = %broadcast_in_dim3A_34, %scan3A_87 = %broadcast_in_dim3A_36, %scan3A_88 = %broadcast_in_dim3A_38, %scan3A_89 = %broadcast_in_dim3A_40, %scan3A_90 = %broadcast_in_dim3A_42, %scan3A_91 = %broadcast_in_dim3A_44, %scan3A_92 = %broadcast_in_dim3A_46) -> (vector<16xf32>, vector<16xf32>, vector<16xf32>, vector<16xf32>, vector<16xf32>, vector<16xf32>, vector<16xf32>, vector<16xf32>, vector<16xi32>, vector<16xi32>, vector<16xi32>, vector<16xi32>, vector<16xi32>, vector<16xi32>, vector<16xi32>, vector<16xi32>)  : i32 {
      %mul3A_93 = arith.constant 64 : i32
      %mul3A_94 = arith.muli %scan3A_76, %mul3A_93 : i32
      %add3A_95 = arith.constant 0 : i32
      %add3A_96 = arith.addi %mul3A_94, %add3A_95 : i32
      %add3A_97 = vector.broadcast %add3A_96 : i32 to vector<16xi32>
      %add3A_98 = arith.addi %add3A_15, %add3A_97 : vector<16xi32>
      %get3A = arith.index_cast %add3A_96 : i32 to index
      %get3A_99 = tpu.vector_load %arg6[%get3A] {strides = array<i32>} : memref<1280xf32, #tpu.memory_space<vmem>>, vector<16xf32>,
      %mul3A_100 = vector.broadcast %select_n3A_14 : f32 to vector<16xf32>
      %mul3A_101 = arith.mulf %get3A_99, %mul3A_100 : vector<16xf32>
      %ge3A = vector.broadcast %select_n3A_4 : i32 to vector<16xi32>
      %ge3A_102 = arith.cmpi sge, %add3A_98, %ge3A : vector<16xi32>
      %jit3A_103 = arith.constant -3.000000e+00 : f32
      %broadcast_in_dim3A_104 = vector.broadcast %jit3A_103 : f32 to vector<16xf32>
      %select_n3A_105 = arith.select %ge3A_102, %mul3A_101, %broadcast_in_dim3A_104 : vector<16xi1>, vector<16xf32>
      %gt3A = arith.cmpf ogt, %select_n3A_105, %scan3A_77 : vector<16xf32>
      %gt3A_106 = arith.cmpf ogt, %select_n3A_105, %scan3A_78 : vector<16xf32>
      %gt3A_107 = arith.cmpf ogt, %select_n3A_105, %scan3A_79 : vector<16xf32>
      %gt3A_108 = arith.cmpf ogt, %select_n3A_105, %scan3A_80 : vector<16xf32>
      %gt3A_109 = arith.cmpf ogt, %select_n3A_105, %scan3A_81 : vector<16xf32>
      %gt3A_110 = arith.cmpf ogt, %select_n3A_105, %scan3A_82 : vector<16xf32>
      %gt3A_111 = arith.cmpf ogt, %select_n3A_105, %scan3A_83 : vector<16xf32>
      %gt3A_112 = arith.cmpf ogt, %select_n3A_105, %scan3A_84 : vector<16xf32>
      %select_n3A_113 = arith.select %gt3A, %select_n3A_105, %scan3A_77 : vector<16xi1>, vector<16xf32>
      %select_n3A_114 = arith.select %gt3A, %add3A_98, %scan3A_85 : vector<16xi1>, vector<16xi32>
      %select_n3A_115 = arith.select %gt3A, %scan3A_77, %select_n3A_105 : vector<16xi1>, vector<16xf32>
      %select_n3A_116 = arith.select %gt3A_106, %select_n3A_115, %scan3A_78 : vector<16xi1>, vector<16xf32>
      %select_n3A_117 = arith.select %gt3A, %scan3A_85, %add3A_98 : vector<16xi1>, vector<16xi32>
      %select_n3A_118 = arith.select %gt3A_106, %select_n3A_117, %scan3A_86 : vector<16xi1>, vector<16xi32>
      %select_n3A_119 = arith.select %gt3A_106, %scan3A_78, %select_n3A_105 : vector<16xi1>, vector<16xf32>
      %select_n3A_120 = arith.select %gt3A_107, %select_n3A_119, %scan3A_79 : vector<16xi1>, vector<16xf32>
      %select_n3A_121 = arith.select %gt3A_106, %scan3A_86, %add3A_98 : vector<16xi1>, vector<16xi32>
      %select_n3A_122 = arith.select %gt3A_107, %select_n3A_121, %scan3A_87 : vector<16xi1>, vector<16xi32>
      %select_n3A_123 = arith.select %gt3A_107, %scan3A_79, %select_n3A_105 : vector<16xi1>, vector<16xf32>
      %select_n3A_124 = arith.select %gt3A_108, %select_n3A_123, %scan3A_80 : vector<16xi1>, vector<16xf32>
      %select_n3A_125 = arith.select %gt3A_107, %scan3A_87, %add3A_98 : vector<16xi1>, vector<16xi32>
      %select_n3A_126 = arith.select %gt3A_108, %select_n3A_125, %scan3A_88 : vector<16xi1>, vector<16xi32>
      %select_n3A_127 = arith.select %gt3A_108, %scan3A_80, %select_n3A_105 : vector<16xi1>, vector<16xf32>
      %select_n3A_128 = arith.select %gt3A_109, %select_n3A_127, %scan3A_81 : vector<16xi1>, vector<16xf32>
      %select_n3A_129 = arith.select %gt3A_108, %scan3A_88, %add3A_98 : vector<16xi1>, vector<16xi32>
      %select_n3A_130 = arith.select %gt3A_109, %select_n3A_129, %scan3A_89 : vector<16xi1>, vector<16xi32>
      %select_n3A_131 = arith.select %gt3A_109, %scan3A_81, %select_n3A_105 : vector<16xi1>, vector<16xf32>
      %select_n3A_132 = arith.select %gt3A_110, %select_n3A_131, %scan3A_82 : vector<16xi1>, vector<16xf32>
      %select_n3A_133 = arith.select %gt3A_109, %scan3A_89, %add3A_98 : vector<16xi1>, vector<16xi32>
      %select_n3A_134 = arith.select %gt3A_110, %select_n3A_133, %scan3A_90 : vector<16xi1>, vector<16xi32>
      %select_n3A_135 = arith.select %gt3A_110, %scan3A_82, %select_n3A_105 : vector<16xi1>, vector<16xf32>
      %select_n3A_136 = arith.select %gt3A_111, %select_n3A_135, %scan3A_83 : vector<16xi1>, vector<16xf32>
      %select_n3A_137 = arith.select %gt3A_110, %scan3A_90, %add3A_98 : vector<16xi1>, vector<16xi32>
      %select_n3A_138 = arith.select %gt3A_111, %select_n3A_137, %scan3A_91 : vector<16xi1>, vector<16xi32>
      %select_n3A_139 = arith.select %gt3A_111, %scan3A_83, %select_n3A_105 : vector<16xi1>, vector<16xf32>
      %select_n3A_140 = arith.select %gt3A_112, %select_n3A_139, %scan3A_84 : vector<16xi1>, vector<16xf32>
      %select_n3A_141 = arith.select %gt3A_111, %scan3A_91, %add3A_98 : vector<16xi1>, vector<16xi32>
      %select_n3A_142 = arith.select %gt3A_112, %select_n3A_141, %scan3A_92 : vector<16xi1>, vector<16xi32>
      %add3A_143 = arith.constant 16 : i32
      %add3A_144 = arith.addi %mul3A_94, %add3A_143 : i32
      %add3A_145 = vector.broadcast %add3A_144 : i32 to vector<16xi32>
      %add3A_146 = arith.addi %add3A_15, %add3A_145 : vector<16xi32>
      %get3A_147 = arith.index_cast %add3A_144 : i32 to index
      %get3A_148 = tpu.vector_load %arg6[%get3A_147] {strides = array<i32>} : memref<1280xf32, #tpu.memory_space<vmem>>, vector<16xf32>,
      %mul3A_149 = vector.broadcast %select_n3A_14 : f32 to vector<16xf32>
      %mul3A_150 = arith.mulf %get3A_148, %mul3A_149 : vector<16xf32>
      %ge3A_151 = vector.broadcast %select_n3A_4 : i32 to vector<16xi32>
      %ge3A_152 = arith.cmpi sge, %add3A_146, %ge3A_151 : vector<16xi32>
      %jit3A_153 = arith.constant -3.000000e+00 : f32
      %broadcast_in_dim3A_154 = vector.broadcast %jit3A_153 : f32 to vector<16xf32>
      %select_n3A_155 = arith.select %ge3A_152, %mul3A_150, %broadcast_in_dim3A_154 : vector<16xi1>, vector<16xf32>
      %gt3A_156 = arith.cmpf ogt, %select_n3A_155, %select_n3A_113 : vector<16xf32>
      %gt3A_157 = arith.cmpf ogt, %select_n3A_155, %select_n3A_116 : vector<16xf32>
      %gt3A_158 = arith.cmpf ogt, %select_n3A_155, %select_n3A_120 : vector<16xf32>
      %gt3A_159 = arith.cmpf ogt, %select_n3A_155, %select_n3A_124 : vector<16xf32>
      %gt3A_160 = arith.cmpf ogt, %select_n3A_155, %select_n3A_128 : vector<16xf32>
      %gt3A_161 = arith.cmpf ogt, %select_n3A_155, %select_n3A_132 : vector<16xf32>
      %gt3A_162 = arith.cmpf ogt, %select_n3A_155, %select_n3A_136 : vector<16xf32>
      %gt3A_163 = arith.cmpf ogt, %select_n3A_155, %select_n3A_140 : vector<16xf32>
      %select_n3A_164 = arith.select %gt3A_156, %select_n3A_155, %select_n3A_113 : vector<16xi1>, vector<16xf32>
      %select_n3A_165 = arith.select %gt3A_156, %add3A_146, %select_n3A_114 : vector<16xi1>, vector<16xi32>
      %select_n3A_166 = arith.select %gt3A_156, %select_n3A_113, %select_n3A_155 : vector<16xi1>, vector<16xf32>
      %select_n3A_167 = arith.select %gt3A_157, %select_n3A_166, %select_n3A_116 : vector<16xi1>, vector<16xf32>
      %select_n3A_168 = arith.select %gt3A_156, %select_n3A_114, %add3A_146 : vector<16xi1>, vector<16xi32>
      %select_n3A_169 = arith.select %gt3A_157, %select_n3A_168, %select_n3A_118 : vector<16xi1>, vector<16xi32>
      %select_n3A_170 = arith.select %gt3A_157, %select_n3A_116, %select_n3A_155 : vector<16xi1>, vector<16xf32>
      %select_n3A_171 = arith.select %gt3A_158, %select_n3A_170, %select_n3A_120 : vector<16xi1>, vector<16xf32>
      %select_n3A_172 = arith.select %gt3A_157, %select_n3A_118, %add3A_146 : vector<16xi1>, vector<16xi32>
      %select_n3A_173 = arith.select %gt3A_158, %select_n3A_172, %select_n3A_122 : vector<16xi1>, vector<16xi32>
      %select_n3A_174 = arith.select %gt3A_158, %select_n3A_120, %select_n3A_155 : vector<16xi1>, vector<16xf32>
      %select_n3A_175 = arith.select %gt3A_159, %select_n3A_174, %select_n3A_124 : vector<16xi1>, vector<16xf32>
      %select_n3A_176 = arith.select %gt3A_158, %select_n3A_122, %add3A_146 : vector<16xi1>, vector<16xi32>
      %select_n3A_177 = arith.select %gt3A_159, %select_n3A_176, %select_n3A_126 : vector<16xi1>, vector<16xi32>
      %select_n3A_178 = arith.select %gt3A_159, %select_n3A_124, %select_n3A_155 : vector<16xi1>, vector<16xf32>
      %select_n3A_179 = arith.select %gt3A_160, %select_n3A_178, %select_n3A_128 : vector<16xi1>, vector<16xf32>
      %select_n3A_180 = arith.select %gt3A_159, %select_n3A_126, %add3A_146 : vector<16xi1>, vector<16xi32>
      %select_n3A_181 = arith.select %gt3A_160, %select_n3A_180, %select_n3A_130 : vector<16xi1>, vector<16xi32>
      %select_n3A_182 = arith.select %gt3A_160, %select_n3A_128, %select_n3A_155 : vector<16xi1>, vector<16xf32>
      %select_n3A_183 = arith.select %gt3A_161, %select_n3A_182, %select_n3A_132 : vector<16xi1>, vector<16xf32>
      %select_n3A_184 = arith.select %gt3A_160, %select_n3A_130, %add3A_146 : vector<16xi1>, vector<16xi32>
      %select_n3A_185 = arith.select %gt3A_161, %select_n3A_184, %select_n3A_134 : vector<16xi1>, vector<16xi32>
      %select_n3A_186 = arith.select %gt3A_161, %select_n3A_132, %select_n3A_155 : vector<16xi1>, vector<16xf32>
      %select_n3A_187 = arith.select %gt3A_162, %select_n3A_186, %select_n3A_136 : vector<16xi1>, vector<16xf32>
      %select_n3A_188 = arith.select %gt3A_161, %select_n3A_134, %add3A_146 : vector<16xi1>, vector<16xi32>
      %select_n3A_189 = arith.select %gt3A_162, %select_n3A_188, %select_n3A_138 : vector<16xi1>, vector<16xi32>
      %select_n3A_190 = arith.select %gt3A_162, %select_n3A_136, %select_n3A_155 : vector<16xi1>, vector<16xf32>
      %select_n3A_191 = arith.select %gt3A_163, %select_n3A_190, %select_n3A_140 : vector<16xi1>, vector<16xf32>
      %select_n3A_192 = arith.select %gt3A_162, %select_n3A_138, %add3A_146 : vector<16xi1>, vector<16xi32>
      %select_n3A_193 = arith.select %gt3A_163, %select_n3A_192, %select_n3A_142 : vector<16xi1>, vector<16xi32>
      %add3A_194 = arith.constant 32 : i32
      %add3A_195 = arith.addi %mul3A_94, %add3A_194 : i32
      %add3A_196 = vector.broadcast %add3A_195 : i32 to vector<16xi32>
      %add3A_197 = arith.addi %add3A_15, %add3A_196 : vector<16xi32>
      %get3A_198 = arith.index_cast %add3A_195 : i32 to index
      %get3A_199 = tpu.vector_load %arg6[%get3A_198] {strides = array<i32>} : memref<1280xf32, #tpu.memory_space<vmem>>, vector<16xf32>,
      %mul3A_200 = vector.broadcast %select_n3A_14 : f32 to vector<16xf32>
      %mul3A_201 = arith.mulf %get3A_199, %mul3A_200 : vector<16xf32>
      %ge3A_202 = vector.broadcast %select_n3A_4 : i32 to vector<16xi32>
      %ge3A_203 = arith.cmpi sge, %add3A_197, %ge3A_202 : vector<16xi32>
      %jit3A_204 = arith.constant -3.000000e+00 : f32
      %broadcast_in_dim3A_205 = vector.broadcast %jit3A_204 : f32 to vector<16xf32>
      %select_n3A_206 = arith.select %ge3A_203, %mul3A_201, %broadcast_in_dim3A_205 : vector<16xi1>, vector<16xf32>
      %gt3A_207 = arith.cmpf ogt, %select_n3A_206, %select_n3A_164 : vector<16xf32>
      %gt3A_208 = arith.cmpf ogt, %select_n3A_206, %select_n3A_167 : vector<16xf32>
      %gt3A_209 = arith.cmpf ogt, %select_n3A_206, %select_n3A_171 : vector<16xf32>
      %gt3A_210 = arith.cmpf ogt, %select_n3A_206, %select_n3A_175 : vector<16xf32>
      %gt3A_211 = arith.cmpf ogt, %select_n3A_206, %select_n3A_179 : vector<16xf32>
      %gt3A_212 = arith.cmpf ogt, %select_n3A_206, %select_n3A_183 : vector<16xf32>
      %gt3A_213 = arith.cmpf ogt, %select_n3A_206, %select_n3A_187 : vector<16xf32>
      %gt3A_214 = arith.cmpf ogt, %select_n3A_206, %select_n3A_191 : vector<16xf32>
      %select_n3A_215 = arith.select %gt3A_207, %select_n3A_206, %select_n3A_164 : vector<16xi1>, vector<16xf32>
      %select_n3A_216 = arith.select %gt3A_207, %add3A_197, %select_n3A_165 : vector<16xi1>, vector<16xi32>
      %select_n3A_217 = arith.select %gt3A_207, %select_n3A_164, %select_n3A_206 : vector<16xi1>, vector<16xf32>
      %select_n3A_218 = arith.select %gt3A_208, %select_n3A_217, %select_n3A_167 : vector<16xi1>, vector<16xf32>
      %select_n3A_219 = arith.select %gt3A_207, %select_n3A_165, %add3A_197 : vector<16xi1>, vector<16xi32>
      %select_n3A_220 = arith.select %gt3A_208, %select_n3A_219, %select_n3A_169 : vector<16xi1>, vector<16xi32>
      %select_n3A_221 = arith.select %gt3A_208, %select_n3A_167, %select_n3A_206 : vector<16xi1>, vector<16xf32>
      %select_n3A_222 = arith.select %gt3A_209, %select_n3A_221, %select_n3A_171 : vector<16xi1>, vector<16xf32>
      %select_n3A_223 = arith.select %gt3A_208, %select_n3A_169, %add3A_197 : vector<16xi1>, vector<16xi32>
      %select_n3A_224 = arith.select %gt3A_209, %select_n3A_223, %select_n3A_173 : vector<16xi1>, vector<16xi32>
      %select_n3A_225 = arith.select %gt3A_209, %select_n3A_171, %select_n3A_206 : vector<16xi1>, vector<16xf32>
      %select_n3A_226 = arith.select %gt3A_210, %select_n3A_225, %select_n3A_175 : vector<16xi1>, vector<16xf32>
      %select_n3A_227 = arith.select %gt3A_209, %select_n3A_173, %add3A_197 : vector<16xi1>, vector<16xi32>
      %select_n3A_228 = arith.select %gt3A_210, %select_n3A_227, %select_n3A_177 : vector<16xi1>, vector<16xi32>
      %select_n3A_229 = arith.select %gt3A_210, %select_n3A_175, %select_n3A_206 : vector<16xi1>, vector<16xf32>
      %select_n3A_230 = arith.select %gt3A_211, %select_n3A_229, %select_n3A_179 : vector<16xi1>, vector<16xf32>
      %select_n3A_231 = arith.select %gt3A_210, %select_n3A_177, %add3A_197 : vector<16xi1>, vector<16xi32>
      %select_n3A_232 = arith.select %gt3A_211, %select_n3A_231, %select_n3A_181 : vector<16xi1>, vector<16xi32>
      %select_n3A_233 = arith.select %gt3A_211, %select_n3A_179, %select_n3A_206 : vector<16xi1>, vector<16xf32>
      %select_n3A_234 = arith.select %gt3A_212, %select_n3A_233, %select_n3A_183 : vector<16xi1>, vector<16xf32>
      %select_n3A_235 = arith.select %gt3A_211, %select_n3A_181, %add3A_197 : vector<16xi1>, vector<16xi32>
      %select_n3A_236 = arith.select %gt3A_212, %select_n3A_235, %select_n3A_185 : vector<16xi1>, vector<16xi32>
      %select_n3A_237 = arith.select %gt3A_212, %select_n3A_183, %select_n3A_206 : vector<16xi1>, vector<16xf32>
      %select_n3A_238 = arith.select %gt3A_213, %select_n3A_237, %select_n3A_187 : vector<16xi1>, vector<16xf32>
      %select_n3A_239 = arith.select %gt3A_212, %select_n3A_185, %add3A_197 : vector<16xi1>, vector<16xi32>
      %select_n3A_240 = arith.select %gt3A_213, %select_n3A_239, %select_n3A_189 : vector<16xi1>, vector<16xi32>
      %select_n3A_241 = arith.select %gt3A_213, %select_n3A_187, %select_n3A_206 : vector<16xi1>, vector<16xf32>
      %select_n3A_242 = arith.select %gt3A_214, %select_n3A_241, %select_n3A_191 : vector<16xi1>, vector<16xf32>
      %select_n3A_243 = arith.select %gt3A_213, %select_n3A_189, %add3A_197 : vector<16xi1>, vector<16xi32>
      %select_n3A_244 = arith.select %gt3A_214, %select_n3A_243, %select_n3A_193 : vector<16xi1>, vector<16xi32>
      %add3A_245 = arith.constant 48 : i32
      %add3A_246 = arith.addi %mul3A_94, %add3A_245 : i32
      %add3A_247 = vector.broadcast %add3A_246 : i32 to vector<16xi32>
      %add3A_248 = arith.addi %add3A_15, %add3A_247 : vector<16xi32>
      %get3A_249 = arith.index_cast %add3A_246 : i32 to index
      %get3A_250 = tpu.vector_load %arg6[%get3A_249] {strides = array<i32>} : memref<1280xf32, #tpu.memory_space<vmem>>, vector<16xf32>,
      %mul3A_251 = vector.broadcast %select_n3A_14 : f32 to vector<16xf32>
      %mul3A_252 = arith.mulf %get3A_250, %mul3A_251 : vector<16xf32>
      %ge3A_253 = vector.broadcast %select_n3A_4 : i32 to vector<16xi32>
      %ge3A_254 = arith.cmpi sge, %add3A_248, %ge3A_253 : vector<16xi32>
      %jit3A_255 = arith.constant -3.000000e+00 : f32
      %broadcast_in_dim3A_256 = vector.broadcast %jit3A_255 : f32 to vector<16xf32>
      %select_n3A_257 = arith.select %ge3A_254, %mul3A_252, %broadcast_in_dim3A_256 : vector<16xi1>, vector<16xf32>
      %gt3A_258 = arith.cmpf ogt, %select_n3A_257, %select_n3A_215 : vector<16xf32>
      %gt3A_259 = arith.cmpf ogt, %select_n3A_257, %select_n3A_218 : vector<16xf32>
      %gt3A_260 = arith.cmpf ogt, %select_n3A_257, %select_n3A_222 : vector<16xf32>
      %gt3A_261 = arith.cmpf ogt, %select_n3A_257, %select_n3A_226 : vector<16xf32>
      %gt3A_262 = arith.cmpf ogt, %select_n3A_257, %select_n3A_230 : vector<16xf32>
      %gt3A_263 = arith.cmpf ogt, %select_n3A_257, %select_n3A_234 : vector<16xf32>
      %gt3A_264 = arith.cmpf ogt, %select_n3A_257, %select_n3A_238 : vector<16xf32>
      %gt3A_265 = arith.cmpf ogt, %select_n3A_257, %select_n3A_242 : vector<16xf32>
      %select_n3A_266 = arith.select %gt3A_258, %select_n3A_257, %select_n3A_215 : vector<16xi1>, vector<16xf32>
      %select_n3A_267 = arith.select %gt3A_258, %add3A_248, %select_n3A_216 : vector<16xi1>, vector<16xi32>
      %select_n3A_268 = arith.select %gt3A_258, %select_n3A_215, %select_n3A_257 : vector<16xi1>, vector<16xf32>
      %select_n3A_269 = arith.select %gt3A_259, %select_n3A_268, %select_n3A_218 : vector<16xi1>, vector<16xf32>
      %select_n3A_270 = arith.select %gt3A_258, %select_n3A_216, %add3A_248 : vector<16xi1>, vector<16xi32>
      %select_n3A_271 = arith.select %gt3A_259, %select_n3A_270, %select_n3A_220 : vector<16xi1>, vector<16xi32>
      %select_n3A_272 = arith.select %gt3A_259, %select_n3A_218, %select_n3A_257 : vector<16xi1>, vector<16xf32>
      %select_n3A_273 = arith.select %gt3A_260, %select_n3A_272, %select_n3A_222 : vector<16xi1>, vector<16xf32>
      %select_n3A_274 = arith.select %gt3A_259, %select_n3A_220, %add3A_248 : vector<16xi1>, vector<16xi32>
      %select_n3A_275 = arith.select %gt3A_260, %select_n3A_274, %select_n3A_224 : vector<16xi1>, vector<16xi32>
      %select_n3A_276 = arith.select %gt3A_260, %select_n3A_222, %select_n3A_257 : vector<16xi1>, vector<16xf32>
      %select_n3A_277 = arith.select %gt3A_261, %select_n3A_276, %select_n3A_226 : vector<16xi1>, vector<16xf32>
      %select_n3A_278 = arith.select %gt3A_260, %select_n3A_224, %add3A_248 : vector<16xi1>, vector<16xi32>
      %select_n3A_279 = arith.select %gt3A_261, %select_n3A_278, %select_n3A_228 : vector<16xi1>, vector<16xi32>
      %select_n3A_280 = arith.select %gt3A_261, %select_n3A_226, %select_n3A_257 : vector<16xi1>, vector<16xf32>
      %select_n3A_281 = arith.select %gt3A_262, %select_n3A_280, %select_n3A_230 : vector<16xi1>, vector<16xf32>
      %select_n3A_282 = arith.select %gt3A_261, %select_n3A_228, %add3A_248 : vector<16xi1>, vector<16xi32>
      %select_n3A_283 = arith.select %gt3A_262, %select_n3A_282, %select_n3A_232 : vector<16xi1>, vector<16xi32>
      %select_n3A_284 = arith.select %gt3A_262, %select_n3A_230, %select_n3A_257 : vector<16xi1>, vector<16xf32>
      %select_n3A_285 = arith.select %gt3A_263, %select_n3A_284, %select_n3A_234 : vector<16xi1>, vector<16xf32>
      %select_n3A_286 = arith.select %gt3A_262, %select_n3A_232, %add3A_248 : vector<16xi1>, vector<16xi32>
      %select_n3A_287 = arith.select %gt3A_263, %select_n3A_286, %select_n3A_236 : vector<16xi1>, vector<16xi32>
      %select_n3A_288 = arith.select %gt3A_263, %select_n3A_234, %select_n3A_257 : vector<16xi1>, vector<16xf32>
      %select_n3A_289 = arith.select %gt3A_264, %select_n3A_288, %select_n3A_238 : vector<16xi1>, vector<16xf32>
      %select_n3A_290 = arith.select %gt3A_263, %select_n3A_236, %add3A_248 : vector<16xi1>, vector<16xi32>
      %select_n3A_291 = arith.select %gt3A_264, %select_n3A_290, %select_n3A_240 : vector<16xi1>, vector<16xi32>
      %select_n3A_292 = arith.select %gt3A_264, %select_n3A_238, %select_n3A_257 : vector<16xi1>, vector<16xf32>
      %select_n3A_293 = arith.select %gt3A_265, %select_n3A_292, %select_n3A_242 : vector<16xi1>, vector<16xf32>
      %select_n3A_294 = arith.select %gt3A_264, %select_n3A_240, %add3A_248 : vector<16xi1>, vector<16xi32>
      %select_n3A_295 = arith.select %gt3A_265, %select_n3A_294, %select_n3A_244 : vector<16xi1>, vector<16xi32>
      scf.yield %select_n3A_266, %select_n3A_269, %select_n3A_273, %select_n3A_277, %select_n3A_281, %select_n3A_285, %select_n3A_289, %select_n3A_293, %select_n3A_267, %select_n3A_271, %select_n3A_275, %select_n3A_279, %select_n3A_283, %select_n3A_287, %select_n3A_291, %select_n3A_295 : vector<16xf32>, vector<16xf32>, vector<16xf32>, vector<16xf32>, vector<16xf32>, vector<16xf32>, vector<16xf32>, vector<16xf32>, vector<16xi32>, vector<16xi32>, vector<16xi32>, vector<16xi32>, vector<16xi32>, vector<16xi32>, vector<16xi32>, vector<16xi32>
    }
    %scan3A_51 = arith.constant 20 : i32
    %broadcast_in_dim3A_52 = arith.constant -2.000000e+00 : f32
    %broadcast_in_dim3A_53 = vector.broadcast %broadcast_in_dim3A_52 : f32 to vector<16xf32>
    %broadcast_in_dim3A_54 = arith.constant 0 : i32
    %broadcast_in_dim3A_55 = vector.broadcast %broadcast_in_dim3A_54 : i32 to vector<16xi32>
    %scan3A_56 = arith.constant 2.000000e+00 : f32
    %scan3A_57 = arith.constant -1 : i32
    %scan3A_58 = arith.constant 0 : i32
    %scan3A_59 = arith.constant 8 : i32
    %scan3A_60 = arith.addi %scan3A_58, %scan3A_59 : i32
    %scan3A_61 = arith.constant 1 : i32
    %scan3A_62:4 = scf.for %scan3A_76 = %scan3A_58 to %scan3A_60 step %scan3A_61 iter_args(%scan3A_77 = %broadcast_in_dim3A_53, %scan3A_78 = %broadcast_in_dim3A_55, %scan3A_79 = %scan3A_56, %scan3A_80 = %scan3A_57) -> (vector<16xf32>, vector<16xi32>, f32, i32)  : i32 {
      %broadcast_in_dim3A_81 = arith.constant -2.000000e+00 : f32
      %broadcast_in_dim3A_82 = vector.broadcast %broadcast_in_dim3A_81 : f32 to vector<16xf32>
      %broadcast_in_dim3A_83 = arith.constant 1073741824 : i32
      %broadcast_in_dim3A_84 = vector.broadcast %broadcast_in_dim3A_83 : i32 to vector<16xi32>
      %lt3A = vector.broadcast %scan3A_79 : f32 to vector<16xf32>
      %lt3A_85 = arith.cmpf olt, %scan3A_50#0, %lt3A : vector<16xf32>
      %eq3A_86 = vector.broadcast %scan3A_79 : f32 to vector<16xf32>
      %eq3A_87 = arith.cmpf oeq, %scan3A_50#0, %eq3A_86 : vector<16xf32>
      %gt3A = vector.broadcast %scan3A_80 : i32 to vector<16xi32>
      %gt3A_88 = arith.cmpi sgt, %scan3A_50#8, %gt3A : vector<16xi32>
      %and3A = arith.andi %eq3A_87, %gt3A_88 : vector<16xi1>
      %or3A = arith.ori %lt3A_85, %and3A : vector<16xi1>
      %jit3A_89 = arith.constant -2.000000e+00 : f32
      %broadcast_in_dim3A_90 = vector.broadcast %jit3A_89 : f32 to vector<16xf32>
      %select_n3A_91 = arith.select %or3A, %scan3A_50#0, %broadcast_in_dim3A_90 : vector<16xi1>, vector<16xf32>
      %gt3A_92 = arith.cmpf ogt, %select_n3A_91, %broadcast_in_dim3A_82 : vector<16xf32>
      %select_n3A_93 = arith.select %gt3A_92, %select_n3A_91, %broadcast_in_dim3A_82 : vector<16xi1>, vector<16xf32>
      %select_n3A_94 = arith.select %gt3A_92, %scan3A_50#8, %broadcast_in_dim3A_84 : vector<16xi1>, vector<16xi32>
      %lt3A_95 = vector.broadcast %scan3A_79 : f32 to vector<16xf32>
      %lt3A_96 = arith.cmpf olt, %scan3A_50#1, %lt3A_95 : vector<16xf32>
      %eq3A_97 = vector.broadcast %scan3A_79 : f32 to vector<16xf32>
      %eq3A_98 = arith.cmpf oeq, %scan3A_50#1, %eq3A_97 : vector<16xf32>
      %gt3A_99 = vector.broadcast %scan3A_80 : i32 to vector<16xi32>
      %gt3A_100 = arith.cmpi sgt, %scan3A_50#9, %gt3A_99 : vector<16xi32>
      %and3A_101 = arith.andi %eq3A_98, %gt3A_100 : vector<16xi1>
      %or3A_102 = arith.ori %lt3A_96, %and3A_101 : vector<16xi1>
      %jit3A_103 = arith.constant -2.000000e+00 : f32
      %broadcast_in_dim3A_104 = vector.broadcast %jit3A_103 : f32 to vector<16xf32>
      %select_n3A_105 = arith.select %or3A_102, %scan3A_50#1, %broadcast_in_dim3A_104 : vector<16xi1>, vector<16xf32>
      %gt3A_106 = arith.cmpf ogt, %select_n3A_105, %select_n3A_93 : vector<16xf32>
      %select_n3A_107 = arith.select %gt3A_106, %select_n3A_105, %select_n3A_93 : vector<16xi1>, vector<16xf32>
      %select_n3A_108 = arith.select %gt3A_106, %scan3A_50#9, %select_n3A_94 : vector<16xi1>, vector<16xi32>
      %lt3A_109 = vector.broadcast %scan3A_79 : f32 to vector<16xf32>
      %lt3A_110 = arith.cmpf olt, %scan3A_50#2, %lt3A_109 : vector<16xf32>
      %eq3A_111 = vector.broadcast %scan3A_79 : f32 to vector<16xf32>
      %eq3A_112 = arith.cmpf oeq, %scan3A_50#2, %eq3A_111 : vector<16xf32>
      %gt3A_113 = vector.broadcast %scan3A_80 : i32 to vector<16xi32>
      %gt3A_114 = arith.cmpi sgt, %scan3A_50#10, %gt3A_113 : vector<16xi32>
      %and3A_115 = arith.andi %eq3A_112, %gt3A_114 : vector<16xi1>
      %or3A_116 = arith.ori %lt3A_110, %and3A_115 : vector<16xi1>
      %jit3A_117 = arith.constant -2.000000e+00 : f32
      %broadcast_in_dim3A_118 = vector.broadcast %jit3A_117 : f32 to vector<16xf32>
      %select_n3A_119 = arith.select %or3A_116, %scan3A_50#2, %broadcast_in_dim3A_118 : vector<16xi1>, vector<16xf32>
      %gt3A_120 = arith.cmpf ogt, %select_n3A_119, %select_n3A_107 : vector<16xf32>
      %select_n3A_121 = arith.select %gt3A_120, %select_n3A_119, %select_n3A_107 : vector<16xi1>, vector<16xf32>
      %select_n3A_122 = arith.select %gt3A_120, %scan3A_50#10, %select_n3A_108 : vector<16xi1>, vector<16xi32>
      %lt3A_123 = vector.broadcast %scan3A_79 : f32 to vector<16xf32>
      %lt3A_124 = arith.cmpf olt, %scan3A_50#3, %lt3A_123 : vector<16xf32>
      %eq3A_125 = vector.broadcast %scan3A_79 : f32 to vector<16xf32>
      %eq3A_126 = arith.cmpf oeq, %scan3A_50#3, %eq3A_125 : vector<16xf32>
      %gt3A_127 = vector.broadcast %scan3A_80 : i32 to vector<16xi32>
      %gt3A_128 = arith.cmpi sgt, %scan3A_50#11, %gt3A_127 : vector<16xi32>
      %and3A_129 = arith.andi %eq3A_126, %gt3A_128 : vector<16xi1>
      %or3A_130 = arith.ori %lt3A_124, %and3A_129 : vector<16xi1>
      %jit3A_131 = arith.constant -2.000000e+00 : f32
      %broadcast_in_dim3A_132 = vector.broadcast %jit3A_131 : f32 to vector<16xf32>
      %select_n3A_133 = arith.select %or3A_130, %scan3A_50#3, %broadcast_in_dim3A_132 : vector<16xi1>, vector<16xf32>
      %gt3A_134 = arith.cmpf ogt, %select_n3A_133, %select_n3A_121 : vector<16xf32>
      %select_n3A_135 = arith.select %gt3A_134, %select_n3A_133, %select_n3A_121 : vector<16xi1>, vector<16xf32>
      %select_n3A_136 = arith.select %gt3A_134, %scan3A_50#11, %select_n3A_122 : vector<16xi1>, vector<16xi32>
      %lt3A_137 = vector.broadcast %scan3A_79 : f32 to vector<16xf32>
      %lt3A_138 = arith.cmpf olt, %scan3A_50#4, %lt3A_137 : vector<16xf32>
      %eq3A_139 = vector.broadcast %scan3A_79 : f32 to vector<16xf32>
      %eq3A_140 = arith.cmpf oeq, %scan3A_50#4, %eq3A_139 : vector<16xf32>
      %gt3A_141 = vector.broadcast %scan3A_80 : i32 to vector<16xi32>
      %gt3A_142 = arith.cmpi sgt, %scan3A_50#12, %gt3A_141 : vector<16xi32>
      %and3A_143 = arith.andi %eq3A_140, %gt3A_142 : vector<16xi1>
      %or3A_144 = arith.ori %lt3A_138, %and3A_143 : vector<16xi1>
      %jit3A_145 = arith.constant -2.000000e+00 : f32
      %broadcast_in_dim3A_146 = vector.broadcast %jit3A_145 : f32 to vector<16xf32>
      %select_n3A_147 = arith.select %or3A_144, %scan3A_50#4, %broadcast_in_dim3A_146 : vector<16xi1>, vector<16xf32>
      %gt3A_148 = arith.cmpf ogt, %select_n3A_147, %select_n3A_135 : vector<16xf32>
      %select_n3A_149 = arith.select %gt3A_148, %select_n3A_147, %select_n3A_135 : vector<16xi1>, vector<16xf32>
      %select_n3A_150 = arith.select %gt3A_148, %scan3A_50#12, %select_n3A_136 : vector<16xi1>, vector<16xi32>
      %lt3A_151 = vector.broadcast %scan3A_79 : f32 to vector<16xf32>
      %lt3A_152 = arith.cmpf olt, %scan3A_50#5, %lt3A_151 : vector<16xf32>
      %eq3A_153 = vector.broadcast %scan3A_79 : f32 to vector<16xf32>
      %eq3A_154 = arith.cmpf oeq, %scan3A_50#5, %eq3A_153 : vector<16xf32>
      %gt3A_155 = vector.broadcast %scan3A_80 : i32 to vector<16xi32>
      %gt3A_156 = arith.cmpi sgt, %scan3A_50#13, %gt3A_155 : vector<16xi32>
      %and3A_157 = arith.andi %eq3A_154, %gt3A_156 : vector<16xi1>
      %or3A_158 = arith.ori %lt3A_152, %and3A_157 : vector<16xi1>
      %jit3A_159 = arith.constant -2.000000e+00 : f32
      %broadcast_in_dim3A_160 = vector.broadcast %jit3A_159 : f32 to vector<16xf32>
      %select_n3A_161 = arith.select %or3A_158, %scan3A_50#5, %broadcast_in_dim3A_160 : vector<16xi1>, vector<16xf32>
      %gt3A_162 = arith.cmpf ogt, %select_n3A_161, %select_n3A_149 : vector<16xf32>
      %select_n3A_163 = arith.select %gt3A_162, %select_n3A_161, %select_n3A_149 : vector<16xi1>, vector<16xf32>
      %select_n3A_164 = arith.select %gt3A_162, %scan3A_50#13, %select_n3A_150 : vector<16xi1>, vector<16xi32>
      %lt3A_165 = vector.broadcast %scan3A_79 : f32 to vector<16xf32>
      %lt3A_166 = arith.cmpf olt, %scan3A_50#6, %lt3A_165 : vector<16xf32>
      %eq3A_167 = vector.broadcast %scan3A_79 : f32 to vector<16xf32>
      %eq3A_168 = arith.cmpf oeq, %scan3A_50#6, %eq3A_167 : vector<16xf32>
      %gt3A_169 = vector.broadcast %scan3A_80 : i32 to vector<16xi32>
      %gt3A_170 = arith.cmpi sgt, %scan3A_50#14, %gt3A_169 : vector<16xi32>
      %and3A_171 = arith.andi %eq3A_168, %gt3A_170 : vector<16xi1>
      %or3A_172 = arith.ori %lt3A_166, %and3A_171 : vector<16xi1>
      %jit3A_173 = arith.constant -2.000000e+00 : f32
      %broadcast_in_dim3A_174 = vector.broadcast %jit3A_173 : f32 to vector<16xf32>
      %select_n3A_175 = arith.select %or3A_172, %scan3A_50#6, %broadcast_in_dim3A_174 : vector<16xi1>, vector<16xf32>
      %gt3A_176 = arith.cmpf ogt, %select_n3A_175, %select_n3A_163 : vector<16xf32>
      %select_n3A_177 = arith.select %gt3A_176, %select_n3A_175, %select_n3A_163 : vector<16xi1>, vector<16xf32>
      %select_n3A_178 = arith.select %gt3A_176, %scan3A_50#14, %select_n3A_164 : vector<16xi1>, vector<16xi32>
      %lt3A_179 = vector.broadcast %scan3A_79 : f32 to vector<16xf32>
      %lt3A_180 = arith.cmpf olt, %scan3A_50#7, %lt3A_179 : vector<16xf32>
      %eq3A_181 = vector.broadcast %scan3A_79 : f32 to vector<16xf32>
      %eq3A_182 = arith.cmpf oeq, %scan3A_50#7, %eq3A_181 : vector<16xf32>
      %gt3A_183 = vector.broadcast %scan3A_80 : i32 to vector<16xi32>
      %gt3A_184 = arith.cmpi sgt, %scan3A_50#15, %gt3A_183 : vector<16xi32>
      %and3A_185 = arith.andi %eq3A_182, %gt3A_184 : vector<16xi1>
      %or3A_186 = arith.ori %lt3A_180, %and3A_185 : vector<16xi1>
      %jit3A_187 = arith.constant -2.000000e+00 : f32
      %broadcast_in_dim3A_188 = vector.broadcast %jit3A_187 : f32 to vector<16xf32>
      %select_n3A_189 = arith.select %or3A_186, %scan3A_50#7, %broadcast_in_dim3A_188 : vector<16xi1>, vector<16xf32>
      %gt3A_190 = arith.cmpf ogt, %select_n3A_189, %select_n3A_177 : vector<16xf32>
      %select_n3A_191 = arith.select %gt3A_190, %select_n3A_189, %select_n3A_177 : vector<16xi1>, vector<16xf32>
      %select_n3A_192 = arith.select %gt3A_190, %scan3A_50#15, %select_n3A_178 : vector<16xi1>, vector<16xi32>
      %reduce_max3A = arith.constant true
      %reduce_max3A_193 = vector.broadcast %reduce_max3A : i1 to vector<16xi1>
      %reduce_max3A_194 = tpu.scan <max>, %select_n3A_191 masked %reduce_max3A_193 : vector<16xf32>, vector<16xi1> -> vector<16xf32>
      %reduce_max3A_195 = vector.extract %reduce_max3A_194[15] : f32 from vector<16xf32>
      %eq3A_196 = vector.broadcast %reduce_max3A_195 : f32 to vector<16xf32>
      %eq3A_197 = arith.cmpf oeq, %select_n3A_191, %eq3A_196 : vector<16xf32>
      %jit3A_198 = arith.constant 1073741824 : i32
      %broadcast_in_dim3A_199 = vector.broadcast %jit3A_198 : i32 to vector<16xi32>
      %select_n3A_200 = arith.select %eq3A_197, %select_n3A_192, %broadcast_in_dim3A_199 : vector<16xi1>, vector<16xi32>
      %reduce_min3A = arith.constant true
      %reduce_min3A_201 = vector.broadcast %reduce_min3A : i1 to vector<16xi1>
      %reduce_min3A_202 = arith.constant -2147483648 : i32
      %reduce_min3A_203 = vector.broadcast %reduce_min3A_202 : i32 to vector<16xi32>
      %reduce_min3A_204 = arith.xori %select_n3A_200, %reduce_min3A_203 : vector<16xi32>
      %reduce_min3A_205 = tpu.scan <min>, %reduce_min3A_204 masked %reduce_min3A_201 : vector<16xi32>, vector<16xi1> -> vector<16xi32>
      %reduce_min3A_206 = arith.xori %reduce_min3A_205, %reduce_min3A_203 : vector<16xi32>
      %reduce_min3A_207 = vector.extract %reduce_min3A_206[15] : i32 from vector<16xi32>
      %eq3A_208 = vector.broadcast %scan3A_76 : i32 to vector<16xi32>
      %eq3A_209 = arith.cmpi eq, %iota3A, %eq3A_208 : vector<16xi32>
      %broadcast_in_dim3A_210 = vector.broadcast %reduce_max3A_195 : f32 to vector<16xf32>
      %select_n3A_211 = arith.select %eq3A_209, %broadcast_in_dim3A_210, %scan3A_77 : vector<16xi1>, vector<16xf32>
      %eq3A_212 = vector.broadcast %scan3A_76 : i32 to vector<16xi32>
      %eq3A_213 = arith.cmpi eq, %iota3A, %eq3A_212 : vector<16xi32>
      %broadcast_in_dim3A_214 = vector.broadcast %reduce_min3A_207 : i32 to vector<16xi32>
      %select_n3A_215 = arith.select %eq3A_213, %broadcast_in_dim3A_214, %scan3A_78 : vector<16xi1>, vector<16xi32>
      scf.yield %select_n3A_211, %select_n3A_215, %reduce_max3A_195, %reduce_min3A_207 : vector<16xf32>, vector<16xi32>, f32, i32
    }
    %scan3A_63 = arith.constant 8 : i32
    %swap3A = arith.constant 0 : index
    %swap3A_64 = tpu.vector_load %arg7[%swap3A] {strides = array<i32>} : memref<16xf32, #tpu.memory_space<vmem>>, vector<16xf32>,
    tpu.vector_store %arg7[%swap3A], %scan3A_62#0 {strides = array<i32>} : memref<16xf32, #tpu.memory_space<vmem>>, vector<16xf32>,
    %swap3A_65 = arith.constant 0 : index
    %swap3A_66 = tpu.vector_load %arg8[%swap3A_65] {strides = array<i32>} : memref<16xi32, #tpu.memory_space<vmem>>, vector<16xi32>,
    tpu.vector_store %arg8[%swap3A_65], %scan3A_62#1 {strides = array<i32>} : memref<16xi32, #tpu.memory_space<vmem>>, vector<16xi32>,
    %mul3A_67 = arith.constant 16 : i32
    %mul3A_68 = arith.muli %arg1, %mul3A_67 : i32
    "tpu.region"() ({
      %run_scoped3A = tpu.sem_alloc : memref<!tpu.dma_semaphore, #tpu.memory_space<semaphore_mem>>
      %dma_start3A_76 = tpu.memref_slice %arg9[%mul3A_68] : memref<256xf32, #tpu.memory_space<vmem_shared>> -> memref<16xf32, #tpu.memory_space<vmem_shared>>
      %dma_start3A_77 = tpu.memref_slice %arg9[%mul3A_68] : memref<256xf32, #tpu.memory_space<vmem_shared>> -> memref<16xf32, #tpu.memory_space<vmem_shared>>
      tpu.enqueue_dma source(%arg7 : memref<16xf32, #tpu.memory_space<vmem>>) target(%dma_start3A_77 : memref<16xf32, #tpu.memory_space<vmem_shared>>) target_semaphore(%run_scoped3A : memref<!tpu.dma_semaphore, #tpu.memory_space<semaphore_mem>>)
      %dma_wait3A_78 = tpu.memref_slice %arg9[%mul3A_68] : memref<256xf32, #tpu.memory_space<vmem_shared>> -> memref<16xf32, #tpu.memory_space<vmem_shared>>
      %dma_wait3A_79 = tpu.memref_slice %arg9[%mul3A_68] : memref<256xf32, #tpu.memory_space<vmem_shared>> -> memref<16xf32, #tpu.memory_space<vmem_shared>>
      tpu.wait_dma2 semaphore(%run_scoped3A : memref<!tpu.dma_semaphore, #tpu.memory_space<semaphore_mem>>) src(%arg7 : memref<16xf32, #tpu.memory_space<vmem>>) dst(%dma_wait3A_79 : memref<16xf32, #tpu.memory_space<vmem_shared>>)
      tpu.yield
    }) : () -> ()
    %mul3A_69 = arith.constant 16 : i32
    %mul3A_70 = arith.muli %arg1, %mul3A_69 : i32
    "tpu.region"() ({
      %run_scoped3A = tpu.sem_alloc : memref<!tpu.dma_semaphore, #tpu.memory_space<semaphore_mem>>
      %dma_start3A_76 = tpu.memref_slice %arg10[%mul3A_70] : memref<256xi32, #tpu.memory_space<vmem_shared>> -> memref<16xi32, #tpu.memory_space<vmem_shared>>
      %dma_start3A_77 = tpu.memref_slice %arg10[%mul3A_70] : memref<256xi32, #tpu.memory_space<vmem_shared>> -> memref<16xi32, #tpu.memory_space<vmem_shared>>
      tpu.enqueue_dma source(%arg8 : memref<16xi32, #tpu.memory_space<vmem>>) target(%dma_start3A_77 : memref<16xi32, #tpu.memory_space<vmem_shared>>) target_semaphore(%run_scoped3A : memref<!tpu.dma_semaphore, #tpu.memory_space<semaphore_mem>>)
      %dma_wait3A_78 = tpu.memref_slice %arg10[%mul3A_70] : memref<256xi32, #tpu.memory_space<vmem_shared>> -> memref<16xi32, #tpu.memory_space<vmem_shared>>
      %dma_wait3A_79 = tpu.memref_slice %arg10[%mul3A_70] : memref<256xi32, #tpu.memory_space<vmem_shared>> -> memref<16xi32, #tpu.memory_space<vmem_shared>>
      tpu.wait_dma2 semaphore(%run_scoped3A : memref<!tpu.dma_semaphore, #tpu.memory_space<semaphore_mem>>) src(%arg8 : memref<16xi32, #tpu.memory_space<vmem>>) dst(%dma_wait3A_79 : memref<16xi32, #tpu.memory_space<vmem_shared>>)
      tpu.yield
    }) : () -> ()
    %barrier3A = arith.constant 0 : index
    tpu.barrier barrier_id(%barrier3A)
    %eq3A_71 = arith.constant 0 : i32
    %eq3A_72 = arith.cmpi eq, %arg1, %eq3A_71 : i32
    %convert_element_type3A_73 = arith.extui %eq3A_72 : i1 to i32
    %cond3A_74 = arith.constant 0 : i32
    %cond3A_75 = arith.cmpi ne, %convert_element_type3A_73, %cond3A_74 : i32
    scf.if %cond3A_75 {
      "tpu.region"() ({
        %run_scoped3A = tpu.sem_alloc : memref<!tpu.dma_semaphore, #tpu.memory_space<semaphore_mem>>
        tpu.enqueue_dma source(%arg9 : memref<256xf32, #tpu.memory_space<vmem_shared>>) target(%arg11 : memref<256xf32, #tpu.memory_space<vmem>>) target_semaphore(%run_scoped3A : memref<!tpu.dma_semaphore, #tpu.memory_space<semaphore_mem>>)
        tpu.wait_dma2 semaphore(%run_scoped3A : memref<!tpu.dma_semaphore, #tpu.memory_space<semaphore_mem>>) src(%arg9 : memref<256xf32, #tpu.memory_space<vmem_shared>>) dst(%arg11 : memref<256xf32, #tpu.memory_space<vmem>>)
        tpu.yield
      }) : () -> ()
      "tpu.region"() ({
        %run_scoped3A = tpu.sem_alloc : memref<!tpu.dma_semaphore, #tpu.memory_space<semaphore_mem>>
        tpu.enqueue_dma source(%arg10 : memref<256xi32, #tpu.memory_space<vmem_shared>>) target(%arg12 : memref<256xi32, #tpu.memory_space<vmem>>) target_semaphore(%run_scoped3A : memref<!tpu.dma_semaphore, #tpu.memory_space<semaphore_mem>>)
        tpu.wait_dma2 semaphore(%run_scoped3A : memref<!tpu.dma_semaphore, #tpu.memory_space<semaphore_mem>>) src(%arg10 : memref<256xi32, #tpu.memory_space<vmem_shared>>) dst(%arg12 : memref<256xi32, #tpu.memory_space<vmem>>)
        tpu.yield
      }) : () -> ()
      %broadcast_in_dim3A_76 = arith.constant -2.000000e+00 : f32
      %broadcast_in_dim3A_77 = vector.broadcast %broadcast_in_dim3A_76 : f32 to vector<16xf32>
      %broadcast_in_dim3A_78 = arith.constant -2.000000e+00 : f32
      %broadcast_in_dim3A_79 = vector.broadcast %broadcast_in_dim3A_78 : f32 to vector<16xf32>
      %broadcast_in_dim3A_80 = arith.constant -2.000000e+00 : f32
      %broadcast_in_dim3A_81 = vector.broadcast %broadcast_in_dim3A_80 : f32 to vector<16xf32>
      %broadcast_in_dim3A_82 = arith.constant -2.000000e+00 : f32
      %broadcast_in_dim3A_83 = vector.broadcast %broadcast_in_dim3A_82 : f32 to vector<16xf32>
      %broadcast_in_dim3A_84 = arith.constant -2.000000e+00 : f32
      %broadcast_in_dim3A_85 = vector.broadcast %broadcast_in_dim3A_84 : f32 to vector<16xf32>
      %broadcast_in_dim3A_86 = arith.constant -2.000000e+00 : f32
      %broadcast_in_dim3A_87 = vector.broadcast %broadcast_in_dim3A_86 : f32 to vector<16xf32>
      %broadcast_in_dim3A_88 = arith.constant -2.000000e+00 : f32
      %broadcast_in_dim3A_89 = vector.broadcast %broadcast_in_dim3A_88 : f32 to vector<16xf32>
      %broadcast_in_dim3A_90 = arith.constant -2.000000e+00 : f32
      %broadcast_in_dim3A_91 = vector.broadcast %broadcast_in_dim3A_90 : f32 to vector<16xf32>
      %broadcast_in_dim3A_92 = arith.constant 1073741824 : i32
      %broadcast_in_dim3A_93 = vector.broadcast %broadcast_in_dim3A_92 : i32 to vector<16xi32>
      %broadcast_in_dim3A_94 = arith.constant 1073741824 : i32
      %broadcast_in_dim3A_95 = vector.broadcast %broadcast_in_dim3A_94 : i32 to vector<16xi32>
      %broadcast_in_dim3A_96 = arith.constant 1073741824 : i32
      %broadcast_in_dim3A_97 = vector.broadcast %broadcast_in_dim3A_96 : i32 to vector<16xi32>
      %broadcast_in_dim3A_98 = arith.constant 1073741824 : i32
      %broadcast_in_dim3A_99 = vector.broadcast %broadcast_in_dim3A_98 : i32 to vector<16xi32>
      %broadcast_in_dim3A_100 = arith.constant 1073741824 : i32
      %broadcast_in_dim3A_101 = vector.broadcast %broadcast_in_dim3A_100 : i32 to vector<16xi32>
      %broadcast_in_dim3A_102 = arith.constant 1073741824 : i32
      %broadcast_in_dim3A_103 = vector.broadcast %broadcast_in_dim3A_102 : i32 to vector<16xi32>
      %broadcast_in_dim3A_104 = arith.constant 1073741824 : i32
      %broadcast_in_dim3A_105 = vector.broadcast %broadcast_in_dim3A_104 : i32 to vector<16xi32>
      %broadcast_in_dim3A_106 = arith.constant 1073741824 : i32
      %broadcast_in_dim3A_107 = vector.broadcast %broadcast_in_dim3A_106 : i32 to vector<16xi32>
      %scan3A_108 = arith.constant 0 : i32
      %scan3A_109 = arith.constant 16 : i32
      %scan3A_110 = arith.addi %scan3A_108, %scan3A_109 : i32
      %scan3A_111 = arith.constant 1 : i32
      %scan3A_112:16 = scf.for %scan3A_351 = %scan3A_108 to %scan3A_110 step %scan3A_111 iter_args(%scan3A_352 = %broadcast_in_dim3A_77, %scan3A_353 = %broadcast_in_dim3A_79, %scan3A_354 = %broadcast_in_dim3A_81, %scan3A_355 = %broadcast_in_dim3A_83, %scan3A_356 = %broadcast_in_dim3A_85, %scan3A_357 = %broadcast_in_dim3A_87, %scan3A_358 = %broadcast_in_dim3A_89, %scan3A_359 = %broadcast_in_dim3A_91, %scan3A_360 = %broadcast_in_dim3A_93, %scan3A_361 = %broadcast_in_dim3A_95, %scan3A_362 = %broadcast_in_dim3A_97, %scan3A_363 = %broadcast_in_dim3A_99, %scan3A_364 = %broadcast_in_dim3A_101, %scan3A_365 = %broadcast_in_dim3A_103, %scan3A_366 = %broadcast_in_dim3A_105, %scan3A_367 = %broadcast_in_dim3A_107) -> (vector<16xf32>, vector<16xf32>, vector<16xf32>, vector<16xf32>, vector<16xf32>, vector<16xf32>, vector<16xf32>, vector<16xf32>, vector<16xi32>, vector<16xi32>, vector<16xi32>, vector<16xi32>, vector<16xi32>, vector<16xi32>, vector<16xi32>, vector<16xi32>)  : i32 {
        %mul3A_368 = arith.constant 16 : i32
        %mul3A_369 = arith.muli %scan3A_351, %mul3A_368 : i32
        %get3A_370 = arith.index_cast %mul3A_369 : i32 to index
        %get3A_371 = tpu.vector_load %arg11[%get3A_370] {strides = array<i32>} : memref<256xf32, #tpu.memory_space<vmem>>, vector<16xf32>,
        %mul3A_372 = arith.constant 16 : i32
        %mul3A_373 = arith.muli %scan3A_351, %mul3A_372 : i32
        %get3A_374 = arith.index_cast %mul3A_373 : i32 to index
        %get3A_375 = tpu.vector_load %arg12[%get3A_374] {strides = array<i32>} : memref<256xi32, #tpu.memory_space<vmem>>, vector<16xi32>,
        %gt3A = arith.cmpf ogt, %get3A_371, %scan3A_352 : vector<16xf32>
        %gt3A_376 = arith.cmpf ogt, %get3A_371, %scan3A_353 : vector<16xf32>
        %gt3A_377 = arith.cmpf ogt, %get3A_371, %scan3A_354 : vector<16xf32>
        %gt3A_378 = arith.cmpf ogt, %get3A_371, %scan3A_355 : vector<16xf32>
        %gt3A_379 = arith.cmpf ogt, %get3A_371, %scan3A_356 : vector<16xf32>
        %gt3A_380 = arith.cmpf ogt, %get3A_371, %scan3A_357 : vector<16xf32>
        %gt3A_381 = arith.cmpf ogt, %get3A_371, %scan3A_358 : vector<16xf32>
        %gt3A_382 = arith.cmpf ogt, %get3A_371, %scan3A_359 : vector<16xf32>
        %select_n3A_383 = arith.select %gt3A, %get3A_371, %scan3A_352 : vector<16xi1>, vector<16xf32>
        %select_n3A_384 = arith.select %gt3A, %get3A_375, %scan3A_360 : vector<16xi1>, vector<16xi32>
        %select_n3A_385 = arith.select %gt3A, %scan3A_352, %get3A_371 : vector<16xi1>, vector<16xf32>
        %select_n3A_386 = arith.select %gt3A_376, %select_n3A_385, %scan3A_353 : vector<16xi1>, vector<16xf32>
        %select_n3A_387 = arith.select %gt3A, %scan3A_360, %get3A_375 : vector<16xi1>, vector<16xi32>
        %select_n3A_388 = arith.select %gt3A_376, %select_n3A_387, %scan3A_361 : vector<16xi1>, vector<16xi32>
        %select_n3A_389 = arith.select %gt3A_376, %scan3A_353, %get3A_371 : vector<16xi1>, vector<16xf32>
        %select_n3A_390 = arith.select %gt3A_377, %select_n3A_389, %scan3A_354 : vector<16xi1>, vector<16xf32>
        %select_n3A_391 = arith.select %gt3A_376, %scan3A_361, %get3A_375 : vector<16xi1>, vector<16xi32>
        %select_n3A_392 = arith.select %gt3A_377, %select_n3A_391, %scan3A_362 : vector<16xi1>, vector<16xi32>
        %select_n3A_393 = arith.select %gt3A_377, %scan3A_354, %get3A_371 : vector<16xi1>, vector<16xf32>
        %select_n3A_394 = arith.select %gt3A_378, %select_n3A_393, %scan3A_355 : vector<16xi1>, vector<16xf32>
        %select_n3A_395 = arith.select %gt3A_377, %scan3A_362, %get3A_375 : vector<16xi1>, vector<16xi32>
        %select_n3A_396 = arith.select %gt3A_378, %select_n3A_395, %scan3A_363 : vector<16xi1>, vector<16xi32>
        %select_n3A_397 = arith.select %gt3A_378, %scan3A_355, %get3A_371 : vector<16xi1>, vector<16xf32>
        %select_n3A_398 = arith.select %gt3A_379, %select_n3A_397, %scan3A_356 : vector<16xi1>, vector<16xf32>
        %select_n3A_399 = arith.select %gt3A_378, %scan3A_363, %get3A_375 : vector<16xi1>, vector<16xi32>
        %select_n3A_400 = arith.select %gt3A_379, %select_n3A_399, %scan3A_364 : vector<16xi1>, vector<16xi32>
        %select_n3A_401 = arith.select %gt3A_379, %scan3A_356, %get3A_371 : vector<16xi1>, vector<16xf32>
        %select_n3A_402 = arith.select %gt3A_380, %select_n3A_401, %scan3A_357 : vector<16xi1>, vector<16xf32>
        %select_n3A_403 = arith.select %gt3A_379, %scan3A_364, %get3A_375 : vector<16xi1>, vector<16xi32>
        %select_n3A_404 = arith.select %gt3A_380, %select_n3A_403, %scan3A_365 : vector<16xi1>, vector<16xi32>
        %select_n3A_405 = arith.select %gt3A_380, %scan3A_357, %get3A_371 : vector<16xi1>, vector<16xf32>
        %select_n3A_406 = arith.select %gt3A_381, %select_n3A_405, %scan3A_358 : vector<16xi1>, vector<16xf32>
        %select_n3A_407 = arith.select %gt3A_380, %scan3A_365, %get3A_375 : vector<16xi1>, vector<16xi32>
        %select_n3A_408 = arith.select %gt3A_381, %select_n3A_407, %scan3A_366 : vector<16xi1>, vector<16xi32>
        %select_n3A_409 = arith.select %gt3A_381, %scan3A_358, %get3A_371 : vector<16xi1>, vector<16xf32>
        %select_n3A_410 = arith.select %gt3A_382, %select_n3A_409, %scan3A_359 : vector<16xi1>, vector<16xf32>
        %select_n3A_411 = arith.select %gt3A_381, %scan3A_366, %get3A_375 : vector<16xi1>, vector<16xi32>
        %select_n3A_412 = arith.select %gt3A_382, %select_n3A_411, %scan3A_367 : vector<16xi1>, vector<16xi32>
        scf.yield %select_n3A_383, %select_n3A_386, %select_n3A_390, %select_n3A_394, %select_n3A_398, %select_n3A_402, %select_n3A_406, %select_n3A_410, %select_n3A_384, %select_n3A_388, %select_n3A_392, %select_n3A_396, %select_n3A_400, %select_n3A_404, %select_n3A_408, %select_n3A_412 : vector<16xf32>, vector<16xf32>, vector<16xf32>, vector<16xf32>, vector<16xf32>, vector<16xf32>, vector<16xf32>, vector<16xf32>, vector<16xi32>, vector<16xi32>, vector<16xi32>, vector<16xi32>, vector<16xi32>, vector<16xi32>, vector<16xi32>, vector<16xi32>
      }
      %scan3A_113 = arith.constant 16 : i32
      %broadcast_in_dim3A_114 = arith.constant -2.000000e+00 : f32
      %broadcast_in_dim3A_115 = vector.broadcast %broadcast_in_dim3A_114 : f32 to vector<16xf32>
      %broadcast_in_dim3A_116 = arith.constant 0 : i32
      %broadcast_in_dim3A_117 = vector.broadcast %broadcast_in_dim3A_116 : i32 to vector<16xi32>
      %scan3A_118 = arith.constant 2.000000e+00 : f32
      %scan3A_119 = arith.constant -1 : i32
      %scan3A_120 = arith.constant 0 : i32
      %scan3A_121 = arith.constant 8 : i32
      %scan3A_122 = arith.addi %scan3A_120, %scan3A_121 : i32
      %scan3A_123 = arith.constant 1 : i32
      %scan3A_124:4 = scf.for %scan3A_351 = %scan3A_120 to %scan3A_122 step %scan3A_123 iter_args(%scan3A_352 = %broadcast_in_dim3A_115, %scan3A_353 = %broadcast_in_dim3A_117, %scan3A_354 = %scan3A_118, %scan3A_355 = %scan3A_119) -> (vector<16xf32>, vector<16xi32>, f32, i32)  : i32 {
        %broadcast_in_dim3A_356 = arith.constant -2.000000e+00 : f32
        %broadcast_in_dim3A_357 = vector.broadcast %broadcast_in_dim3A_356 : f32 to vector<16xf32>
        %broadcast_in_dim3A_358 = arith.constant 1073741824 : i32
        %broadcast_in_dim3A_359 = vector.broadcast %broadcast_in_dim3A_358 : i32 to vector<16xi32>
        %lt3A_360 = vector.broadcast %scan3A_354 : f32 to vector<16xf32>
        %lt3A_361 = arith.cmpf olt, %scan3A_112#0, %lt3A_360 : vector<16xf32>
        %eq3A_362 = vector.broadcast %scan3A_354 : f32 to vector<16xf32>
        %eq3A_363 = arith.cmpf oeq, %scan3A_112#0, %eq3A_362 : vector<16xf32>
        %gt3A = vector.broadcast %scan3A_355 : i32 to vector<16xi32>
        %gt3A_364 = arith.cmpi sgt, %scan3A_112#8, %gt3A : vector<16xi32>
        %and3A = arith.andi %eq3A_363, %gt3A_364 : vector<16xi1>
        %or3A = arith.ori %lt3A_361, %and3A : vector<16xi1>
        %jit3A_365 = arith.constant -2.000000e+00 : f32
        %broadcast_in_dim3A_366 = vector.broadcast %jit3A_365 : f32 to vector<16xf32>
        %select_n3A_367 = arith.select %or3A, %scan3A_112#0, %broadcast_in_dim3A_366 : vector<16xi1>, vector<16xf32>
        %gt3A_368 = arith.cmpf ogt, %select_n3A_367, %broadcast_in_dim3A_357 : vector<16xf32>
        %select_n3A_369 = arith.select %gt3A_368, %select_n3A_367, %broadcast_in_dim3A_357 : vector<16xi1>, vector<16xf32>
        %select_n3A_370 = arith.select %gt3A_368, %scan3A_112#8, %broadcast_in_dim3A_359 : vector<16xi1>, vector<16xi32>
        %lt3A_371 = vector.broadcast %scan3A_354 : f32 to vector<16xf32>
        %lt3A_372 = arith.cmpf olt, %scan3A_112#1, %lt3A_371 : vector<16xf32>
        %eq3A_373 = vector.broadcast %scan3A_354 : f32 to vector<16xf32>
        %eq3A_374 = arith.cmpf oeq, %scan3A_112#1, %eq3A_373 : vector<16xf32>
        %gt3A_375 = vector.broadcast %scan3A_355 : i32 to vector<16xi32>
        %gt3A_376 = arith.cmpi sgt, %scan3A_112#9, %gt3A_375 : vector<16xi32>
        %and3A_377 = arith.andi %eq3A_374, %gt3A_376 : vector<16xi1>
        %or3A_378 = arith.ori %lt3A_372, %and3A_377 : vector<16xi1>
        %jit3A_379 = arith.constant -2.000000e+00 : f32
        %broadcast_in_dim3A_380 = vector.broadcast %jit3A_379 : f32 to vector<16xf32>
        %select_n3A_381 = arith.select %or3A_378, %scan3A_112#1, %broadcast_in_dim3A_380 : vector<16xi1>, vector<16xf32>
        %gt3A_382 = arith.cmpf ogt, %select_n3A_381, %select_n3A_369 : vector<16xf32>
        %select_n3A_383 = arith.select %gt3A_382, %select_n3A_381, %select_n3A_369 : vector<16xi1>, vector<16xf32>
        %select_n3A_384 = arith.select %gt3A_382, %scan3A_112#9, %select_n3A_370 : vector<16xi1>, vector<16xi32>
        %lt3A_385 = vector.broadcast %scan3A_354 : f32 to vector<16xf32>
        %lt3A_386 = arith.cmpf olt, %scan3A_112#2, %lt3A_385 : vector<16xf32>
        %eq3A_387 = vector.broadcast %scan3A_354 : f32 to vector<16xf32>
        %eq3A_388 = arith.cmpf oeq, %scan3A_112#2, %eq3A_387 : vector<16xf32>
        %gt3A_389 = vector.broadcast %scan3A_355 : i32 to vector<16xi32>
        %gt3A_390 = arith.cmpi sgt, %scan3A_112#10, %gt3A_389 : vector<16xi32>
        %and3A_391 = arith.andi %eq3A_388, %gt3A_390 : vector<16xi1>
        %or3A_392 = arith.ori %lt3A_386, %and3A_391 : vector<16xi1>
        %jit3A_393 = arith.constant -2.000000e+00 : f32
        %broadcast_in_dim3A_394 = vector.broadcast %jit3A_393 : f32 to vector<16xf32>
        %select_n3A_395 = arith.select %or3A_392, %scan3A_112#2, %broadcast_in_dim3A_394 : vector<16xi1>, vector<16xf32>
        %gt3A_396 = arith.cmpf ogt, %select_n3A_395, %select_n3A_383 : vector<16xf32>
        %select_n3A_397 = arith.select %gt3A_396, %select_n3A_395, %select_n3A_383 : vector<16xi1>, vector<16xf32>
        %select_n3A_398 = arith.select %gt3A_396, %scan3A_112#10, %select_n3A_384 : vector<16xi1>, vector<16xi32>
        %lt3A_399 = vector.broadcast %scan3A_354 : f32 to vector<16xf32>
        %lt3A_400 = arith.cmpf olt, %scan3A_112#3, %lt3A_399 : vector<16xf32>
        %eq3A_401 = vector.broadcast %scan3A_354 : f32 to vector<16xf32>
        %eq3A_402 = arith.cmpf oeq, %scan3A_112#3, %eq3A_401 : vector<16xf32>
        %gt3A_403 = vector.broadcast %scan3A_355 : i32 to vector<16xi32>
        %gt3A_404 = arith.cmpi sgt, %scan3A_112#11, %gt3A_403 : vector<16xi32>
        %and3A_405 = arith.andi %eq3A_402, %gt3A_404 : vector<16xi1>
        %or3A_406 = arith.ori %lt3A_400, %and3A_405 : vector<16xi1>
        %jit3A_407 = arith.constant -2.000000e+00 : f32
        %broadcast_in_dim3A_408 = vector.broadcast %jit3A_407 : f32 to vector<16xf32>
        %select_n3A_409 = arith.select %or3A_406, %scan3A_112#3, %broadcast_in_dim3A_408 : vector<16xi1>, vector<16xf32>
        %gt3A_410 = arith.cmpf ogt, %select_n3A_409, %select_n3A_397 : vector<16xf32>
        %select_n3A_411 = arith.select %gt3A_410, %select_n3A_409, %select_n3A_397 : vector<16xi1>, vector<16xf32>
        %select_n3A_412 = arith.select %gt3A_410, %scan3A_112#11, %select_n3A_398 : vector<16xi1>, vector<16xi32>
        %lt3A_413 = vector.broadcast %scan3A_354 : f32 to vector<16xf32>
        %lt3A_414 = arith.cmpf olt, %scan3A_112#4, %lt3A_413 : vector<16xf32>
        %eq3A_415 = vector.broadcast %scan3A_354 : f32 to vector<16xf32>
        %eq3A_416 = arith.cmpf oeq, %scan3A_112#4, %eq3A_415 : vector<16xf32>
        %gt3A_417 = vector.broadcast %scan3A_355 : i32 to vector<16xi32>
        %gt3A_418 = arith.cmpi sgt, %scan3A_112#12, %gt3A_417 : vector<16xi32>
        %and3A_419 = arith.andi %eq3A_416, %gt3A_418 : vector<16xi1>
        %or3A_420 = arith.ori %lt3A_414, %and3A_419 : vector<16xi1>
        %jit3A_421 = arith.constant -2.000000e+00 : f32
        %broadcast_in_dim3A_422 = vector.broadcast %jit3A_421 : f32 to vector<16xf32>
        %select_n3A_423 = arith.select %or3A_420, %scan3A_112#4, %broadcast_in_dim3A_422 : vector<16xi1>, vector<16xf32>
        %gt3A_424 = arith.cmpf ogt, %select_n3A_423, %select_n3A_411 : vector<16xf32>
        %select_n3A_425 = arith.select %gt3A_424, %select_n3A_423, %select_n3A_411 : vector<16xi1>, vector<16xf32>
        %select_n3A_426 = arith.select %gt3A_424, %scan3A_112#12, %select_n3A_412 : vector<16xi1>, vector<16xi32>
        %lt3A_427 = vector.broadcast %scan3A_354 : f32 to vector<16xf32>
        %lt3A_428 = arith.cmpf olt, %scan3A_112#5, %lt3A_427 : vector<16xf32>
        %eq3A_429 = vector.broadcast %scan3A_354 : f32 to vector<16xf32>
        %eq3A_430 = arith.cmpf oeq, %scan3A_112#5, %eq3A_429 : vector<16xf32>
        %gt3A_431 = vector.broadcast %scan3A_355 : i32 to vector<16xi32>
        %gt3A_432 = arith.cmpi sgt, %scan3A_112#13, %gt3A_431 : vector<16xi32>
        %and3A_433 = arith.andi %eq3A_430, %gt3A_432 : vector<16xi1>
        %or3A_434 = arith.ori %lt3A_428, %and3A_433 : vector<16xi1>
        %jit3A_435 = arith.constant -2.000000e+00 : f32
        %broadcast_in_dim3A_436 = vector.broadcast %jit3A_435 : f32 to vector<16xf32>
        %select_n3A_437 = arith.select %or3A_434, %scan3A_112#5, %broadcast_in_dim3A_436 : vector<16xi1>, vector<16xf32>
        %gt3A_438 = arith.cmpf ogt, %select_n3A_437, %select_n3A_425 : vector<16xf32>
        %select_n3A_439 = arith.select %gt3A_438, %select_n3A_437, %select_n3A_425 : vector<16xi1>, vector<16xf32>
        %select_n3A_440 = arith.select %gt3A_438, %scan3A_112#13, %select_n3A_426 : vector<16xi1>, vector<16xi32>
        %lt3A_441 = vector.broadcast %scan3A_354 : f32 to vector<16xf32>
        %lt3A_442 = arith.cmpf olt, %scan3A_112#6, %lt3A_441 : vector<16xf32>
        %eq3A_443 = vector.broadcast %scan3A_354 : f32 to vector<16xf32>
        %eq3A_444 = arith.cmpf oeq, %scan3A_112#6, %eq3A_443 : vector<16xf32>
        %gt3A_445 = vector.broadcast %scan3A_355 : i32 to vector<16xi32>
        %gt3A_446 = arith.cmpi sgt, %scan3A_112#14, %gt3A_445 : vector<16xi32>
        %and3A_447 = arith.andi %eq3A_444, %gt3A_446 : vector<16xi1>
        %or3A_448 = arith.ori %lt3A_442, %and3A_447 : vector<16xi1>
        %jit3A_449 = arith.constant -2.000000e+00 : f32
        %broadcast_in_dim3A_450 = vector.broadcast %jit3A_449 : f32 to vector<16xf32>
        %select_n3A_451 = arith.select %or3A_448, %scan3A_112#6, %broadcast_in_dim3A_450 : vector<16xi1>, vector<16xf32>
        %gt3A_452 = arith.cmpf ogt, %select_n3A_451, %select_n3A_439 : vector<16xf32>
        %select_n3A_453 = arith.select %gt3A_452, %select_n3A_451, %select_n3A_439 : vector<16xi1>, vector<16xf32>
        %select_n3A_454 = arith.select %gt3A_452, %scan3A_112#14, %select_n3A_440 : vector<16xi1>, vector<16xi32>
        %lt3A_455 = vector.broadcast %scan3A_354 : f32 to vector<16xf32>
        %lt3A_456 = arith.cmpf olt, %scan3A_112#7, %lt3A_455 : vector<16xf32>
        %eq3A_457 = vector.broadcast %scan3A_354 : f32 to vector<16xf32>
        %eq3A_458 = arith.cmpf oeq, %scan3A_112#7, %eq3A_457 : vector<16xf32>
        %gt3A_459 = vector.broadcast %scan3A_355 : i32 to vector<16xi32>
        %gt3A_460 = arith.cmpi sgt, %scan3A_112#15, %gt3A_459 : vector<16xi32>
        %and3A_461 = arith.andi %eq3A_458, %gt3A_460 : vector<16xi1>
        %or3A_462 = arith.ori %lt3A_456, %and3A_461 : vector<16xi1>
        %jit3A_463 = arith.constant -2.000000e+00 : f32
        %broadcast_in_dim3A_464 = vector.broadcast %jit3A_463 : f32 to vector<16xf32>
        %select_n3A_465 = arith.select %or3A_462, %scan3A_112#7, %broadcast_in_dim3A_464 : vector<16xi1>, vector<16xf32>
        %gt3A_466 = arith.cmpf ogt, %select_n3A_465, %select_n3A_453 : vector<16xf32>
        %select_n3A_467 = arith.select %gt3A_466, %select_n3A_465, %select_n3A_453 : vector<16xi1>, vector<16xf32>
        %select_n3A_468 = arith.select %gt3A_466, %scan3A_112#15, %select_n3A_454 : vector<16xi1>, vector<16xi32>
        %reduce_max3A = arith.constant true
        %reduce_max3A_469 = vector.broadcast %reduce_max3A : i1 to vector<16xi1>
        %reduce_max3A_470 = tpu.scan <max>, %select_n3A_467 masked %reduce_max3A_469 : vector<16xf32>, vector<16xi1> -> vector<16xf32>
        %reduce_max3A_471 = vector.extract %reduce_max3A_470[15] : f32 from vector<16xf32>
        %eq3A_472 = vector.broadcast %reduce_max3A_471 : f32 to vector<16xf32>
        %eq3A_473 = arith.cmpf oeq, %select_n3A_467, %eq3A_472 : vector<16xf32>
        %jit3A_474 = arith.constant 1073741824 : i32
        %broadcast_in_dim3A_475 = vector.broadcast %jit3A_474 : i32 to vector<16xi32>
        %select_n3A_476 = arith.select %eq3A_473, %select_n3A_468, %broadcast_in_dim3A_475 : vector<16xi1>, vector<16xi32>
        %reduce_min3A = arith.constant true
        %reduce_min3A_477 = vector.broadcast %reduce_min3A : i1 to vector<16xi1>
        %reduce_min3A_478 = arith.constant -2147483648 : i32
        %reduce_min3A_479 = vector.broadcast %reduce_min3A_478 : i32 to vector<16xi32>
        %reduce_min3A_480 = arith.xori %select_n3A_476, %reduce_min3A_479 : vector<16xi32>
        %reduce_min3A_481 = tpu.scan <min>, %reduce_min3A_480 masked %reduce_min3A_477 : vector<16xi32>, vector<16xi1> -> vector<16xi32>
        %reduce_min3A_482 = arith.xori %reduce_min3A_481, %reduce_min3A_479 : vector<16xi32>
        %reduce_min3A_483 = vector.extract %reduce_min3A_482[15] : i32 from vector<16xi32>
        %eq3A_484 = vector.broadcast %scan3A_351 : i32 to vector<16xi32>
        %eq3A_485 = arith.cmpi eq, %iota3A, %eq3A_484 : vector<16xi32>
        %broadcast_in_dim3A_486 = vector.broadcast %reduce_max3A_471 : f32 to vector<16xf32>
        %select_n3A_487 = arith.select %eq3A_485, %broadcast_in_dim3A_486, %scan3A_352 : vector<16xi1>, vector<16xf32>
        %eq3A_488 = vector.broadcast %scan3A_351 : i32 to vector<16xi32>
        %eq3A_489 = arith.cmpi eq, %iota3A, %eq3A_488 : vector<16xi32>
        %broadcast_in_dim3A_490 = vector.broadcast %reduce_min3A_483 : i32 to vector<16xi32>
        %select_n3A_491 = arith.select %eq3A_489, %broadcast_in_dim3A_490, %scan3A_353 : vector<16xi1>, vector<16xi32>
        scf.yield %select_n3A_487, %select_n3A_491, %reduce_max3A_471, %reduce_min3A_483 : vector<16xf32>, vector<16xi32>, f32, i32
      }
      %scan3A_125 = arith.constant 8 : i32
      %lt3A = arith.constant 8 : i32
      %lt3A_126 = vector.broadcast %lt3A : i32 to vector<16xi32>
      %lt3A_127 = arith.cmpi slt, %iota3A, %lt3A_126 : vector<16xi32>
      %jit3A_128 = arith.constant 0 : i32
      %broadcast_in_dim3A_129 = vector.broadcast %jit3A_128 : i32 to vector<16xi32>
      %select_n3A_130 = arith.select %lt3A_127, %scan3A_124#1, %broadcast_in_dim3A_129 : vector<16xi1>, vector<16xi32>
      %swap3A_131 = arith.constant 0 : index
      %swap3A_132 = tpu.vector_load %arg13[%swap3A_131] {strides = array<i32>} : memref<16xi32, #tpu.memory_space<vmem>>, vector<16xi32>,
      tpu.vector_store %arg13[%swap3A_131], %select_n3A_130 {strides = array<i32>} : memref<16xi32, #tpu.memory_space<vmem>>, vector<16xi32>,
      %dma_start3A_133 = arith.constant 0 : i32
      %dma_start3A_134 = arith.constant 0 : i32
      %dma_start3A_135 = arith.constant 0 : i32
      %dma_start3A_136 = tpu.memref_slice %arg3[%dma_start3A_133, %dma_start3A_134, %dma_start3A_135] : memref<20000x1x512xf32, #tpu.memory_space<hbm>> -> memref<20000x1x512xf32, #tpu.memory_space<hbm>>
      tpu.enqueue_indirect_dma source(%dma_start3A_136 : memref<20000x1x512xf32, #tpu.memory_space<hbm>>) target(%arg14 : memref<16x1x512xf32, #tpu.memory_space<vmem>>) offsets(%arg13 : memref<16xi32, #tpu.memory_space<vmem>>) semaphore(%arg19 : memref<!tpu.dma_semaphore, #tpu.memory_space<semaphore_mem>>)
      %dma_wait3A_137 = arith.constant 0 : i32
      %dma_wait3A_138 = arith.constant 0 : i32
      %dma_wait3A_139 = arith.constant 0 : i32
      %dma_wait3A_140 = tpu.memref_slice %arg3[%dma_wait3A_137, %dma_wait3A_138, %dma_wait3A_139] : memref<20000x1x512xf32, #tpu.memory_space<hbm>> -> memref<20000x1x512xf32, #tpu.memory_space<hbm>>
      tpu.wait_indirect_dma semaphore(%arg19 : memref<!tpu.dma_semaphore, #tpu.memory_space<semaphore_mem>>) src(%dma_wait3A_140 : memref<20000x1x512xf32, #tpu.memory_space<hbm>>) dst(%arg14 : memref<16x1x512xf32, #tpu.memory_space<vmem>>)
      %dma_wait3A_141 = arith.constant 20000 : i32
      %dma_wait3A_142 = tpu.memref_slice %arg2[%dma_wait3A_141] : memref<21032xf32, #tpu.memory_space<hbm>> -> memref<1032xf32, #tpu.memory_space<hbm>>
      %dma_wait3A_143 = arith.constant 20000 : i32
      %dma_wait3A_144 = tpu.memref_slice %arg2[%dma_wait3A_143] : memref<21032xf32, #tpu.memory_space<hbm>> -> memref<1032xf32, #tpu.memory_space<hbm>>
      tpu.wait_dma2 semaphore(%arg20 : memref<!tpu.dma_semaphore, #tpu.memory_space<semaphore_mem>>) src(%dma_wait3A_144 : memref<1032xf32, #tpu.memory_space<hbm>>) dst(%arg15 : memref<1032xf32, #tpu.memory_space<vmem>>)
      %broadcast_in_dim3A_145 = arith.constant 0.000000e+00 : f32
      %broadcast_in_dim3A_146 = vector.broadcast %broadcast_in_dim3A_145 : f32 to vector<16xf32>
      %broadcast_in_dim3A_147 = arith.constant 0.000000e+00 : f32
      %broadcast_in_dim3A_148 = vector.broadcast %broadcast_in_dim3A_147 : f32 to vector<16xf32>
      %broadcast_in_dim3A_149 = arith.constant 0.000000e+00 : f32
      %broadcast_in_dim3A_150 = vector.broadcast %broadcast_in_dim3A_149 : f32 to vector<16xf32>
      %broadcast_in_dim3A_151 = arith.constant 0.000000e+00 : f32
      %broadcast_in_dim3A_152 = vector.broadcast %broadcast_in_dim3A_151 : f32 to vector<16xf32>
      %broadcast_in_dim3A_153 = arith.constant 0.000000e+00 : f32
      %broadcast_in_dim3A_154 = vector.broadcast %broadcast_in_dim3A_153 : f32 to vector<16xf32>
      %broadcast_in_dim3A_155 = arith.constant 0.000000e+00 : f32
      %broadcast_in_dim3A_156 = vector.broadcast %broadcast_in_dim3A_155 : f32 to vector<16xf32>
      %broadcast_in_dim3A_157 = arith.constant 0.000000e+00 : f32
      %broadcast_in_dim3A_158 = vector.broadcast %broadcast_in_dim3A_157 : f32 to vector<16xf32>
      %broadcast_in_dim3A_159 = arith.constant 0.000000e+00 : f32
      %broadcast_in_dim3A_160 = vector.broadcast %broadcast_in_dim3A_159 : f32 to vector<16xf32>
      %scan3A_161 = arith.constant 0 : i32
      %scan3A_162 = arith.constant 32 : i32
      %scan3A_163 = arith.addi %scan3A_161, %scan3A_162 : i32
      %scan3A_164 = arith.constant 1 : i32
      %scan3A_165:16 = scf.for %scan3A_351 = %scan3A_161 to %scan3A_163 step %scan3A_164 iter_args(%scan3A_352 = %broadcast_in_dim3A_146, %scan3A_353 = %broadcast_in_dim3A_148, %scan3A_354 = %broadcast_in_dim3A_150, %scan3A_355 = %broadcast_in_dim3A_152, %scan3A_356 = %broadcast_in_dim3A_154, %scan3A_357 = %broadcast_in_dim3A_156, %scan3A_358 = %broadcast_in_dim3A_158, %scan3A_359 = %broadcast_in_dim3A_160, %scan3A_360 = %broadcast_in_dim3A_146, %scan3A_361 = %broadcast_in_dim3A_148, %scan3A_362 = %broadcast_in_dim3A_150, %scan3A_363 = %broadcast_in_dim3A_152, %scan3A_364 = %broadcast_in_dim3A_154, %scan3A_365 = %broadcast_in_dim3A_156, %scan3A_366 = %broadcast_in_dim3A_158, %scan3A_367 = %broadcast_in_dim3A_160) -> (vector<16xf32>, vector<16xf32>, vector<16xf32>, vector<16xf32>, vector<16xf32>, vector<16xf32>, vector<16xf32>, vector<16xf32>, vector<16xf32>, vector<16xf32>, vector<16xf32>, vector<16xf32>, vector<16xf32>, vector<16xf32>, vector<16xf32>, vector<16xf32>)  : i32 {
        %mul3A_368 = arith.constant 16 : i32
        %mul3A_369 = arith.muli %scan3A_351, %mul3A_368 : i32
        %add3A_370 = arith.constant 8 : i32
        %add3A_371 = arith.addi %add3A_370, %mul3A_369 : i32
        %get3A_372 = arith.index_cast %add3A_371 : i32 to index
        %get3A_373 = tpu.vector_load %arg15[%get3A_372] {strides = array<i32>} : memref<1032xf32, #tpu.memory_space<vmem>>, vector<16xf32>,
        %mul3A_374 = arith.constant 16 : i32
        %mul3A_375 = arith.muli %scan3A_351, %mul3A_374 : i32
        %add3A_376 = arith.constant 520 : i32
        %add3A_377 = arith.addi %add3A_376, %mul3A_375 : i32
        %get3A_378 = arith.index_cast %add3A_377 : i32 to index
        %get3A_379 = tpu.vector_load %arg15[%get3A_378] {strides = array<i32>} : memref<1032xf32, #tpu.memory_space<vmem>>, vector<16xf32>,
        %mul3A_380 = arith.constant 16 : i32
        %mul3A_381 = arith.muli %scan3A_351, %mul3A_380 : i32
        %get3A_382 = arith.constant 0 : i32
        %get3A_383 = arith.constant 0 : i32
        %get3A_384 = arith.index_cast %get3A_382 : i32 to index
        %get3A_385 = arith.index_cast %get3A_383 : i32 to index
        %get3A_386 = arith.index_cast %mul3A_381 : i32 to index
        %get3A_387 = tpu.vector_load %arg14[%get3A_384, %get3A_385, %get3A_386] {strides = array<i32>} : memref<16x1x512xf32, #tpu.memory_space<vmem>>, vector<16xf32>,
        %mul3A_388 = arith.mulf %get3A_387, %get3A_373 : vector<16xf32>
        %add3A_389 = arith.addf %scan3A_352, %mul3A_388 : vector<16xf32>
        %mul3A_390 = arith.mulf %get3A_387, %get3A_379 : vector<16xf32>
        %add3A_391 = arith.addf %scan3A_360, %mul3A_390 : vector<16xf32>
        %mul3A_392 = arith.constant 16 : i32
        %mul3A_393 = arith.muli %scan3A_351, %mul3A_392 : i32
        %get3A_394 = arith.constant 1 : i32
        %get3A_395 = arith.constant 0 : i32
        %get3A_396 = arith.index_cast %get3A_394 : i32 to index
        %get3A_397 = arith.index_cast %get3A_395 : i32 to index
        %get3A_398 = arith.index_cast %mul3A_393 : i32 to index
        %get3A_399 = tpu.vector_load %arg14[%get3A_396, %get3A_397, %get3A_398] {strides = array<i32>} : memref<16x1x512xf32, #tpu.memory_space<vmem>>, vector<16xf32>,
        %mul3A_400 = arith.mulf %get3A_399, %get3A_373 : vector<16xf32>
        %add3A_401 = arith.addf %scan3A_353, %mul3A_400 : vector<16xf32>
        %mul3A_402 = arith.mulf %get3A_399, %get3A_379 : vector<16xf32>
        %add3A_403 = arith.addf %scan3A_361, %mul3A_402 : vector<16xf32>
        %mul3A_404 = arith.constant 16 : i32
        %mul3A_405 = arith.muli %scan3A_351, %mul3A_404 : i32
        %get3A_406 = arith.constant 2 : i32
        %get3A_407 = arith.constant 0 : i32
        %get3A_408 = arith.index_cast %get3A_406 : i32 to index
        %get3A_409 = arith.index_cast %get3A_407 : i32 to index
        %get3A_410 = arith.index_cast %mul3A_405 : i32 to index
        %get3A_411 = tpu.vector_load %arg14[%get3A_408, %get3A_409, %get3A_410] {strides = array<i32>} : memref<16x1x512xf32, #tpu.memory_space<vmem>>, vector<16xf32>,
        %mul3A_412 = arith.mulf %get3A_411, %get3A_373 : vector<16xf32>
        %add3A_413 = arith.addf %scan3A_354, %mul3A_412 : vector<16xf32>
        %mul3A_414 = arith.mulf %get3A_411, %get3A_379 : vector<16xf32>
        %add3A_415 = arith.addf %scan3A_362, %mul3A_414 : vector<16xf32>
        %mul3A_416 = arith.constant 16 : i32
        %mul3A_417 = arith.muli %scan3A_351, %mul3A_416 : i32
        %get3A_418 = arith.constant 3 : i32
        %get3A_419 = arith.constant 0 : i32
        %get3A_420 = arith.index_cast %get3A_418 : i32 to index
        %get3A_421 = arith.index_cast %get3A_419 : i32 to index
        %get3A_422 = arith.index_cast %mul3A_417 : i32 to index
        %get3A_423 = tpu.vector_load %arg14[%get3A_420, %get3A_421, %get3A_422] {strides = array<i32>} : memref<16x1x512xf32, #tpu.memory_space<vmem>>, vector<16xf32>,
        %mul3A_424 = arith.mulf %get3A_423, %get3A_373 : vector<16xf32>
        %add3A_425 = arith.addf %scan3A_355, %mul3A_424 : vector<16xf32>
        %mul3A_426 = arith.mulf %get3A_423, %get3A_379 : vector<16xf32>
        %add3A_427 = arith.addf %scan3A_363, %mul3A_426 : vector<16xf32>
        %mul3A_428 = arith.constant 16 : i32
        %mul3A_429 = arith.muli %scan3A_351, %mul3A_428 : i32
        %get3A_430 = arith.constant 4 : i32
        %get3A_431 = arith.constant 0 : i32
        %get3A_432 = arith.index_cast %get3A_430 : i32 to index
        %get3A_433 = arith.index_cast %get3A_431 : i32 to index
        %get3A_434 = arith.index_cast %mul3A_429 : i32 to index
        %get3A_435 = tpu.vector_load %arg14[%get3A_432, %get3A_433, %get3A_434] {strides = array<i32>} : memref<16x1x512xf32, #tpu.memory_space<vmem>>, vector<16xf32>,
        %mul3A_436 = arith.mulf %get3A_435, %get3A_373 : vector<16xf32>
        %add3A_437 = arith.addf %scan3A_356, %mul3A_436 : vector<16xf32>
        %mul3A_438 = arith.mulf %get3A_435, %get3A_379 : vector<16xf32>
        %add3A_439 = arith.addf %scan3A_364, %mul3A_438 : vector<16xf32>
        %mul3A_440 = arith.constant 16 : i32
        %mul3A_441 = arith.muli %scan3A_351, %mul3A_440 : i32
        %get3A_442 = arith.constant 5 : i32
        %get3A_443 = arith.constant 0 : i32
        %get3A_444 = arith.index_cast %get3A_442 : i32 to index
        %get3A_445 = arith.index_cast %get3A_443 : i32 to index
        %get3A_446 = arith.index_cast %mul3A_441 : i32 to index
        %get3A_447 = tpu.vector_load %arg14[%get3A_444, %get3A_445, %get3A_446] {strides = array<i32>} : memref<16x1x512xf32, #tpu.memory_space<vmem>>, vector<16xf32>,
        %mul3A_448 = arith.mulf %get3A_447, %get3A_373 : vector<16xf32>
        %add3A_449 = arith.addf %scan3A_357, %mul3A_448 : vector<16xf32>
        %mul3A_450 = arith.mulf %get3A_447, %get3A_379 : vector<16xf32>
        %add3A_451 = arith.addf %scan3A_365, %mul3A_450 : vector<16xf32>
        %mul3A_452 = arith.constant 16 : i32
        %mul3A_453 = arith.muli %scan3A_351, %mul3A_452 : i32
        %get3A_454 = arith.constant 6 : i32
        %get3A_455 = arith.constant 0 : i32
        %get3A_456 = arith.index_cast %get3A_454 : i32 to index
        %get3A_457 = arith.index_cast %get3A_455 : i32 to index
        %get3A_458 = arith.index_cast %mul3A_453 : i32 to index
        %get3A_459 = tpu.vector_load %arg14[%get3A_456, %get3A_457, %get3A_458] {strides = array<i32>} : memref<16x1x512xf32, #tpu.memory_space<vmem>>, vector<16xf32>,
        %mul3A_460 = arith.mulf %get3A_459, %get3A_373 : vector<16xf32>
        %add3A_461 = arith.addf %scan3A_358, %mul3A_460 : vector<16xf32>
        %mul3A_462 = arith.mulf %get3A_459, %get3A_379 : vector<16xf32>
        %add3A_463 = arith.addf %scan3A_366, %mul3A_462 : vector<16xf32>
        %mul3A_464 = arith.constant 16 : i32
        %mul3A_465 = arith.muli %scan3A_351, %mul3A_464 : i32
        %get3A_466 = arith.constant 7 : i32
        %get3A_467 = arith.constant 0 : i32
        %get3A_468 = arith.index_cast %get3A_466 : i32 to index
        %get3A_469 = arith.index_cast %get3A_467 : i32 to index
        %get3A_470 = arith.index_cast %mul3A_465 : i32 to index
        %get3A_471 = tpu.vector_load %arg14[%get3A_468, %get3A_469, %get3A_470] {strides = array<i32>} : memref<16x1x512xf32, #tpu.memory_space<vmem>>, vector<16xf32>,
        %mul3A_472 = arith.mulf %get3A_471, %get3A_373 : vector<16xf32>
        %add3A_473 = arith.addf %scan3A_359, %mul3A_472 : vector<16xf32>
        %mul3A_474 = arith.mulf %get3A_471, %get3A_379 : vector<16xf32>
        %add3A_475 = arith.addf %scan3A_367, %mul3A_474 : vector<16xf32>
        scf.yield %add3A_389, %add3A_401, %add3A_413, %add3A_425, %add3A_437, %add3A_449, %add3A_461, %add3A_473, %add3A_391, %add3A_403, %add3A_415, %add3A_427, %add3A_439, %add3A_451, %add3A_463, %add3A_475 : vector<16xf32>, vector<16xf32>, vector<16xf32>, vector<16xf32>, vector<16xf32>, vector<16xf32>, vector<16xf32>, vector<16xf32>, vector<16xf32>, vector<16xf32>, vector<16xf32>, vector<16xf32>, vector<16xf32>, vector<16xf32>, vector<16xf32>, vector<16xf32>
      }
      %scan3A_166 = arith.constant 32 : i32
      %broadcast_in_dim3A_167 = arith.constant 0.000000e+00 : f32
      %broadcast_in_dim3A_168 = vector.broadcast %broadcast_in_dim3A_167 : f32 to vector<16xf32>
      %broadcast_in_dim3A_169 = arith.constant 0.000000e+00 : f32
      %broadcast_in_dim3A_170 = vector.broadcast %broadcast_in_dim3A_169 : f32 to vector<16xf32>
      %eq3A_171 = arith.constant 0 : i32
      %eq3A_172 = vector.broadcast %eq3A_171 : i32 to vector<16xi32>
      %eq3A_173 = arith.cmpi eq, %iota3A, %eq3A_172 : vector<16xi32>
      %reduce_sum3A = arith.constant true
      %reduce_sum3A_174 = vector.broadcast %reduce_sum3A : i1 to vector<16xi1>
      %reduce_sum3A_175 = tpu.scan <sum>, %scan3A_165#0 masked %reduce_sum3A_174 : vector<16xf32>, vector<16xi1> -> vector<16xf32>
      %reduce_sum3A_176 = vector.extract %reduce_sum3A_175[15] : f32 from vector<16xf32>
      %broadcast_in_dim3A_177 = vector.broadcast %reduce_sum3A_176 : f32 to vector<16xf32>
      %select_n3A_178 = arith.select %eq3A_173, %broadcast_in_dim3A_177, %broadcast_in_dim3A_168 : vector<16xi1>, vector<16xf32>
      %eq3A_179 = arith.constant 0 : i32
      %eq3A_180 = vector.broadcast %eq3A_179 : i32 to vector<16xi32>
      %eq3A_181 = arith.cmpi eq, %iota3A, %eq3A_180 : vector<16xi32>
      %reduce_sum3A_182 = arith.constant true
      %reduce_sum3A_183 = vector.broadcast %reduce_sum3A_182 : i1 to vector<16xi1>
      %reduce_sum3A_184 = tpu.scan <sum>, %scan3A_165#8 masked %reduce_sum3A_183 : vector<16xf32>, vector<16xi1> -> vector<16xf32>
      %reduce_sum3A_185 = vector.extract %reduce_sum3A_184[15] : f32 from vector<16xf32>
      %broadcast_in_dim3A_186 = vector.broadcast %reduce_sum3A_185 : f32 to vector<16xf32>
      %select_n3A_187 = arith.select %eq3A_181, %broadcast_in_dim3A_186, %broadcast_in_dim3A_170 : vector<16xi1>, vector<16xf32>
      %eq3A_188 = arith.constant 1 : i32
      %eq3A_189 = vector.broadcast %eq3A_188 : i32 to vector<16xi32>
      %eq3A_190 = arith.cmpi eq, %iota3A, %eq3A_189 : vector<16xi32>
      %reduce_sum3A_191 = arith.constant true
      %reduce_sum3A_192 = vector.broadcast %reduce_sum3A_191 : i1 to vector<16xi1>
      %reduce_sum3A_193 = tpu.scan <sum>, %scan3A_165#1 masked %reduce_sum3A_192 : vector<16xf32>, vector<16xi1> -> vector<16xf32>
      %reduce_sum3A_194 = vector.extract %reduce_sum3A_193[15] : f32 from vector<16xf32>
      %broadcast_in_dim3A_195 = vector.broadcast %reduce_sum3A_194 : f32 to vector<16xf32>
      %select_n3A_196 = arith.select %eq3A_190, %broadcast_in_dim3A_195, %select_n3A_178 : vector<16xi1>, vector<16xf32>
      %eq3A_197 = arith.constant 1 : i32
      %eq3A_198 = vector.broadcast %eq3A_197 : i32 to vector<16xi32>
      %eq3A_199 = arith.cmpi eq, %iota3A, %eq3A_198 : vector<16xi32>
      %reduce_sum3A_200 = arith.constant true
      %reduce_sum3A_201 = vector.broadcast %reduce_sum3A_200 : i1 to vector<16xi1>
      %reduce_sum3A_202 = tpu.scan <sum>, %scan3A_165#9 masked %reduce_sum3A_201 : vector<16xf32>, vector<16xi1> -> vector<16xf32>
      %reduce_sum3A_203 = vector.extract %reduce_sum3A_202[15] : f32 from vector<16xf32>
      %broadcast_in_dim3A_204 = vector.broadcast %reduce_sum3A_203 : f32 to vector<16xf32>
      %select_n3A_205 = arith.select %eq3A_199, %broadcast_in_dim3A_204, %select_n3A_187 : vector<16xi1>, vector<16xf32>
      %eq3A_206 = arith.constant 2 : i32
      %eq3A_207 = vector.broadcast %eq3A_206 : i32 to vector<16xi32>
      %eq3A_208 = arith.cmpi eq, %iota3A, %eq3A_207 : vector<16xi32>
      %reduce_sum3A_209 = arith.constant true
      %reduce_sum3A_210 = vector.broadcast %reduce_sum3A_209 : i1 to vector<16xi1>
      %reduce_sum3A_211 = tpu.scan <sum>, %scan3A_165#2 masked %reduce_sum3A_210 : vector<16xf32>, vector<16xi1> -> vector<16xf32>
      %reduce_sum3A_212 = vector.extract %reduce_sum3A_211[15] : f32 from vector<16xf32>
      %broadcast_in_dim3A_213 = vector.broadcast %reduce_sum3A_212 : f32 to vector<16xf32>
      %select_n3A_214 = arith.select %eq3A_208, %broadcast_in_dim3A_213, %select_n3A_196 : vector<16xi1>, vector<16xf32>
      %eq3A_215 = arith.constant 2 : i32
      %eq3A_216 = vector.broadcast %eq3A_215 : i32 to vector<16xi32>
      %eq3A_217 = arith.cmpi eq, %iota3A, %eq3A_216 : vector<16xi32>
      %reduce_sum3A_218 = arith.constant true
      %reduce_sum3A_219 = vector.broadcast %reduce_sum3A_218 : i1 to vector<16xi1>
      %reduce_sum3A_220 = tpu.scan <sum>, %scan3A_165#10 masked %reduce_sum3A_219 : vector<16xf32>, vector<16xi1> -> vector<16xf32>
      %reduce_sum3A_221 = vector.extract %reduce_sum3A_220[15] : f32 from vector<16xf32>
      %broadcast_in_dim3A_222 = vector.broadcast %reduce_sum3A_221 : f32 to vector<16xf32>
      %select_n3A_223 = arith.select %eq3A_217, %broadcast_in_dim3A_222, %select_n3A_205 : vector<16xi1>, vector<16xf32>
      %eq3A_224 = arith.constant 3 : i32
      %eq3A_225 = vector.broadcast %eq3A_224 : i32 to vector<16xi32>
      %eq3A_226 = arith.cmpi eq, %iota3A, %eq3A_225 : vector<16xi32>
      %reduce_sum3A_227 = arith.constant true
      %reduce_sum3A_228 = vector.broadcast %reduce_sum3A_227 : i1 to vector<16xi1>
      %reduce_sum3A_229 = tpu.scan <sum>, %scan3A_165#3 masked %reduce_sum3A_228 : vector<16xf32>, vector<16xi1> -> vector<16xf32>
      %reduce_sum3A_230 = vector.extract %reduce_sum3A_229[15] : f32 from vector<16xf32>
      %broadcast_in_dim3A_231 = vector.broadcast %reduce_sum3A_230 : f32 to vector<16xf32>
      %select_n3A_232 = arith.select %eq3A_226, %broadcast_in_dim3A_231, %select_n3A_214 : vector<16xi1>, vector<16xf32>
      %eq3A_233 = arith.constant 3 : i32
      %eq3A_234 = vector.broadcast %eq3A_233 : i32 to vector<16xi32>
      %eq3A_235 = arith.cmpi eq, %iota3A, %eq3A_234 : vector<16xi32>
      %reduce_sum3A_236 = arith.constant true
      %reduce_sum3A_237 = vector.broadcast %reduce_sum3A_236 : i1 to vector<16xi1>
      %reduce_sum3A_238 = tpu.scan <sum>, %scan3A_165#11 masked %reduce_sum3A_237 : vector<16xf32>, vector<16xi1> -> vector<16xf32>
      %reduce_sum3A_239 = vector.extract %reduce_sum3A_238[15] : f32 from vector<16xf32>
      %broadcast_in_dim3A_240 = vector.broadcast %reduce_sum3A_239 : f32 to vector<16xf32>
      %select_n3A_241 = arith.select %eq3A_235, %broadcast_in_dim3A_240, %select_n3A_223 : vector<16xi1>, vector<16xf32>
      %eq3A_242 = arith.constant 4 : i32
      %eq3A_243 = vector.broadcast %eq3A_242 : i32 to vector<16xi32>
      %eq3A_244 = arith.cmpi eq, %iota3A, %eq3A_243 : vector<16xi32>
      %reduce_sum3A_245 = arith.constant true
      %reduce_sum3A_246 = vector.broadcast %reduce_sum3A_245 : i1 to vector<16xi1>
      %reduce_sum3A_247 = tpu.scan <sum>, %scan3A_165#4 masked %reduce_sum3A_246 : vector<16xf32>, vector<16xi1> -> vector<16xf32>
      %reduce_sum3A_248 = vector.extract %reduce_sum3A_247[15] : f32 from vector<16xf32>
      %broadcast_in_dim3A_249 = vector.broadcast %reduce_sum3A_248 : f32 to vector<16xf32>
      %select_n3A_250 = arith.select %eq3A_244, %broadcast_in_dim3A_249, %select_n3A_232 : vector<16xi1>, vector<16xf32>
      %eq3A_251 = arith.constant 4 : i32
      %eq3A_252 = vector.broadcast %eq3A_251 : i32 to vector<16xi32>
      %eq3A_253 = arith.cmpi eq, %iota3A, %eq3A_252 : vector<16xi32>
      %reduce_sum3A_254 = arith.constant true
      %reduce_sum3A_255 = vector.broadcast %reduce_sum3A_254 : i1 to vector<16xi1>
      %reduce_sum3A_256 = tpu.scan <sum>, %scan3A_165#12 masked %reduce_sum3A_255 : vector<16xf32>, vector<16xi1> -> vector<16xf32>
      %reduce_sum3A_257 = vector.extract %reduce_sum3A_256[15] : f32 from vector<16xf32>
      %broadcast_in_dim3A_258 = vector.broadcast %reduce_sum3A_257 : f32 to vector<16xf32>
      %select_n3A_259 = arith.select %eq3A_253, %broadcast_in_dim3A_258, %select_n3A_241 : vector<16xi1>, vector<16xf32>
      %eq3A_260 = arith.constant 5 : i32
      %eq3A_261 = vector.broadcast %eq3A_260 : i32 to vector<16xi32>
      %eq3A_262 = arith.cmpi eq, %iota3A, %eq3A_261 : vector<16xi32>
      %reduce_sum3A_263 = arith.constant true
      %reduce_sum3A_264 = vector.broadcast %reduce_sum3A_263 : i1 to vector<16xi1>
      %reduce_sum3A_265 = tpu.scan <sum>, %scan3A_165#5 masked %reduce_sum3A_264 : vector<16xf32>, vector<16xi1> -> vector<16xf32>
      %reduce_sum3A_266 = vector.extract %reduce_sum3A_265[15] : f32 from vector<16xf32>
      %broadcast_in_dim3A_267 = vector.broadcast %reduce_sum3A_266 : f32 to vector<16xf32>
      %select_n3A_268 = arith.select %eq3A_262, %broadcast_in_dim3A_267, %select_n3A_250 : vector<16xi1>, vector<16xf32>
      %eq3A_269 = arith.constant 5 : i32
      %eq3A_270 = vector.broadcast %eq3A_269 : i32 to vector<16xi32>
      %eq3A_271 = arith.cmpi eq, %iota3A, %eq3A_270 : vector<16xi32>
      %reduce_sum3A_272 = arith.constant true
      %reduce_sum3A_273 = vector.broadcast %reduce_sum3A_272 : i1 to vector<16xi1>
      %reduce_sum3A_274 = tpu.scan <sum>, %scan3A_165#13 masked %reduce_sum3A_273 : vector<16xf32>, vector<16xi1> -> vector<16xf32>
      %reduce_sum3A_275 = vector.extract %reduce_sum3A_274[15] : f32 from vector<16xf32>
      %broadcast_in_dim3A_276 = vector.broadcast %reduce_sum3A_275 : f32 to vector<16xf32>
      %select_n3A_277 = arith.select %eq3A_271, %broadcast_in_dim3A_276, %select_n3A_259 : vector<16xi1>, vector<16xf32>
      %eq3A_278 = arith.constant 6 : i32
      %eq3A_279 = vector.broadcast %eq3A_278 : i32 to vector<16xi32>
      %eq3A_280 = arith.cmpi eq, %iota3A, %eq3A_279 : vector<16xi32>
      %reduce_sum3A_281 = arith.constant true
      %reduce_sum3A_282 = vector.broadcast %reduce_sum3A_281 : i1 to vector<16xi1>
      %reduce_sum3A_283 = tpu.scan <sum>, %scan3A_165#6 masked %reduce_sum3A_282 : vector<16xf32>, vector<16xi1> -> vector<16xf32>
      %reduce_sum3A_284 = vector.extract %reduce_sum3A_283[15] : f32 from vector<16xf32>
      %broadcast_in_dim3A_285 = vector.broadcast %reduce_sum3A_284 : f32 to vector<16xf32>
      %select_n3A_286 = arith.select %eq3A_280, %broadcast_in_dim3A_285, %select_n3A_268 : vector<16xi1>, vector<16xf32>
      %eq3A_287 = arith.constant 6 : i32
      %eq3A_288 = vector.broadcast %eq3A_287 : i32 to vector<16xi32>
      %eq3A_289 = arith.cmpi eq, %iota3A, %eq3A_288 : vector<16xi32>
      %reduce_sum3A_290 = arith.constant true
      %reduce_sum3A_291 = vector.broadcast %reduce_sum3A_290 : i1 to vector<16xi1>
      %reduce_sum3A_292 = tpu.scan <sum>, %scan3A_165#14 masked %reduce_sum3A_291 : vector<16xf32>, vector<16xi1> -> vector<16xf32>
      %reduce_sum3A_293 = vector.extract %reduce_sum3A_292[15] : f32 from vector<16xf32>
      %broadcast_in_dim3A_294 = vector.broadcast %reduce_sum3A_293 : f32 to vector<16xf32>
      %select_n3A_295 = arith.select %eq3A_289, %broadcast_in_dim3A_294, %select_n3A_277 : vector<16xi1>, vector<16xf32>
      %eq3A_296 = arith.constant 7 : i32
      %eq3A_297 = vector.broadcast %eq3A_296 : i32 to vector<16xi32>
      %eq3A_298 = arith.cmpi eq, %iota3A, %eq3A_297 : vector<16xi32>
      %reduce_sum3A_299 = arith.constant true
      %reduce_sum3A_300 = vector.broadcast %reduce_sum3A_299 : i1 to vector<16xi1>
      %reduce_sum3A_301 = tpu.scan <sum>, %scan3A_165#7 masked %reduce_sum3A_300 : vector<16xf32>, vector<16xi1> -> vector<16xf32>
      %reduce_sum3A_302 = vector.extract %reduce_sum3A_301[15] : f32 from vector<16xf32>
      %broadcast_in_dim3A_303 = vector.broadcast %reduce_sum3A_302 : f32 to vector<16xf32>
      %select_n3A_304 = arith.select %eq3A_298, %broadcast_in_dim3A_303, %select_n3A_286 : vector<16xi1>, vector<16xf32>
      %eq3A_305 = arith.constant 7 : i32
      %eq3A_306 = vector.broadcast %eq3A_305 : i32 to vector<16xi32>
      %eq3A_307 = arith.cmpi eq, %iota3A, %eq3A_306 : vector<16xi32>
      %reduce_sum3A_308 = arith.constant true
      %reduce_sum3A_309 = vector.broadcast %reduce_sum3A_308 : i1 to vector<16xi1>
      %reduce_sum3A_310 = tpu.scan <sum>, %scan3A_165#15 masked %reduce_sum3A_309 : vector<16xf32>, vector<16xi1> -> vector<16xf32>
      %reduce_sum3A_311 = vector.extract %reduce_sum3A_310[15] : f32 from vector<16xf32>
      %broadcast_in_dim3A_312 = vector.broadcast %reduce_sum3A_311 : f32 to vector<16xf32>
      %select_n3A_313 = arith.select %eq3A_307, %broadcast_in_dim3A_312, %select_n3A_295 : vector<16xi1>, vector<16xf32>
      %get3A = arith.constant 0 : index
      %get3A_314 = tpu.vector_load %arg15[%get3A] {strides = array<i32>} : memref<1032xf32, #tpu.memory_space<vmem>>, vector<16xf32>,
      %slice3A = vector.extract_strided_slice %get3A_314 {offsets = [0], sizes = [1], strides = [1]} : vector<16xf32> to vector<1xf32>
      %squeeze3A = vector.extract %slice3A[0] : f32 from vector<1xf32>
      %add3A_315 = vector.broadcast %squeeze3A : f32 to vector<16xf32>
      %add3A_316 = arith.addf %select_n3A_304, %add3A_315 : vector<16xf32>
      %slice3A_317 = vector.extract_strided_slice %get3A_314 {offsets = [1], sizes = [1], strides = [1]} : vector<16xf32> to vector<1xf32>
      %squeeze3A_318 = vector.extract %slice3A_317[0] : f32 from vector<1xf32>
      %add3A_319 = vector.broadcast %squeeze3A_318 : f32 to vector<16xf32>
      %add3A_320 = arith.addf %select_n3A_313, %add3A_319 : vector<16xf32>
      %sub3A = arith.subf %add3A_320, %add3A_316 : vector<16xf32>
      %exp3A = math.exp %sub3A : vector<16xf32>
      %add3A_321 = arith.constant 1.000000e+00 : f32
      %add3A_322 = vector.broadcast %add3A_321 : f32 to vector<16xf32>
      %add3A_323 = arith.addf %add3A_322, %exp3A : vector<16xf32>
      %div3A = arith.constant 1.000000e+00 : f32
      %div3A_324 = vector.broadcast %div3A : f32 to vector<16xf32>
      %div3A_325 = arith.divf %div3A_324, %add3A_323 : vector<16xf32>
      %swap3A_326 = arith.constant 0 : index
      %swap3A_327 = tpu.vector_load %arg16[%swap3A_326] {strides = array<i32>} : memref<16xf32, #tpu.memory_space<vmem>>, vector<16xf32>,
      tpu.vector_store %arg16[%swap3A_326], %div3A_325 {strides = array<i32>} : memref<16xf32, #tpu.memory_space<vmem>>, vector<16xf32>,
      %sub3A_328 = arith.subf %add3A_316, %add3A_320 : vector<16xf32>
      %exp3A_329 = math.exp %sub3A_328 : vector<16xf32>
      %add3A_330 = arith.constant 1.000000e+00 : f32
      %add3A_331 = vector.broadcast %add3A_330 : f32 to vector<16xf32>
      %add3A_332 = arith.addf %add3A_331, %exp3A_329 : vector<16xf32>
      %div3A_333 = arith.constant 1.000000e+00 : f32
      %div3A_334 = vector.broadcast %div3A_333 : f32 to vector<16xf32>
      %div3A_335 = arith.divf %div3A_334, %add3A_332 : vector<16xf32>
      %swap3A_336 = arith.constant 0 : index
      %swap3A_337 = tpu.vector_load %arg17[%swap3A_336] {strides = array<i32>} : memref<16xf32, #tpu.memory_space<vmem>>, vector<16xf32>,
      tpu.vector_store %arg17[%swap3A_336], %div3A_335 {strides = array<i32>} : memref<16xf32, #tpu.memory_space<vmem>>, vector<16xf32>,
      %mul3A_338 = arith.constant 8 : i32
      %mul3A_339 = arith.muli %arg0, %mul3A_338 : i32
      "tpu.region"() ({
        %run_scoped3A = tpu.sem_alloc : memref<!tpu.dma_semaphore, #tpu.memory_space<semaphore_mem>>
        %dma_start3A_351 = arith.constant 0 : i32
        %dma_start3A_352 = tpu.memref_slice %arg16[%dma_start3A_351] : memref<16xf32, #tpu.memory_space<vmem>> -> memref<8xf32, #tpu.memory_space<vmem>>
        %dma_start3A_353 = tpu.memref_slice %arg4[%mul3A_339] : memref<32xf32, #tpu.memory_space<hbm>> -> memref<8xf32, #tpu.memory_space<hbm>>
        %dma_start3A_354 = tpu.memref_slice %arg4[%mul3A_339] : memref<32xf32, #tpu.memory_space<hbm>> -> memref<8xf32, #tpu.memory_space<hbm>>
        %dma_start3A_355 = arith.constant 0 : i32
        %dma_start3A_356 = tpu.memref_slice %arg16[%dma_start3A_355] : memref<16xf32, #tpu.memory_space<vmem>> -> memref<8xf32, #tpu.memory_space<vmem>>
        tpu.enqueue_dma source(%dma_start3A_356 : memref<8xf32, #tpu.memory_space<vmem>>) target(%dma_start3A_354 : memref<8xf32, #tpu.memory_space<hbm>>) target_semaphore(%run_scoped3A : memref<!tpu.dma_semaphore, #tpu.memory_space<semaphore_mem>>)
        %dma_wait3A_357 = arith.constant 0 : i32
        %dma_wait3A_358 = tpu.memref_slice %arg16[%dma_wait3A_357] : memref<16xf32, #tpu.memory_space<vmem>> -> memref<8xf32, #tpu.memory_space<vmem>>
        %dma_wait3A_359 = tpu.memref_slice %arg4[%mul3A_339] : memref<32xf32, #tpu.memory_space<hbm>> -> memref<8xf32, #tpu.memory_space<hbm>>
        %dma_wait3A_360 = tpu.memref_slice %arg4[%mul3A_339] : memref<32xf32, #tpu.memory_space<hbm>> -> memref<8xf32, #tpu.memory_space<hbm>>
        %dma_wait3A_361 = arith.constant 0 : i32
        %dma_wait3A_362 = tpu.memref_slice %arg16[%dma_wait3A_361] : memref<16xf32, #tpu.memory_space<vmem>> -> memref<8xf32, #tpu.memory_space<vmem>>
        tpu.wait_dma2 semaphore(%run_scoped3A : memref<!tpu.dma_semaphore, #tpu.memory_space<semaphore_mem>>) src(%dma_wait3A_362 : memref<8xf32, #tpu.memory_space<vmem>>) dst(%dma_wait3A_360 : memref<8xf32, #tpu.memory_space<hbm>>)
        tpu.yield
      }) : () -> ()
      %mul3A_340 = arith.constant 8 : i32
      %mul3A_341 = arith.muli %arg0, %mul3A_340 : i32
      %add3A_342 = arith.constant 16 : i32
      %add3A_343 = arith.addi %add3A_342, %mul3A_341 : i32
      "tpu.region"() ({
        %run_scoped3A = tpu.sem_alloc : memref<!tpu.dma_semaphore, #tpu.memory_space<semaphore_mem>>
        %dma_start3A_351 = arith.constant 0 : i32
        %dma_start3A_352 = tpu.memref_slice %arg17[%dma_start3A_351] : memref<16xf32, #tpu.memory_space<vmem>> -> memref<8xf32, #tpu.memory_space<vmem>>
        %dma_start3A_353 = tpu.memref_slice %arg4[%add3A_343] : memref<32xf32, #tpu.memory_space<hbm>> -> memref<8xf32, #tpu.memory_space<hbm>>
        %dma_start3A_354 = tpu.memref_slice %arg4[%add3A_343] : memref<32xf32, #tpu.memory_space<hbm>> -> memref<8xf32, #tpu.memory_space<hbm>>
        %dma_start3A_355 = arith.constant 0 : i32
        %dma_start3A_356 = tpu.memref_slice %arg17[%dma_start3A_355] : memref<16xf32, #tpu.memory_space<vmem>> -> memref<8xf32, #tpu.memory_space<vmem>>
        tpu.enqueue_dma source(%dma_start3A_356 : memref<8xf32, #tpu.memory_space<vmem>>) target(%dma_start3A_354 : memref<8xf32, #tpu.memory_space<hbm>>) target_semaphore(%run_scoped3A : memref<!tpu.dma_semaphore, #tpu.memory_space<semaphore_mem>>)
        %dma_wait3A_357 = arith.constant 0 : i32
        %dma_wait3A_358 = tpu.memref_slice %arg17[%dma_wait3A_357] : memref<16xf32, #tpu.memory_space<vmem>> -> memref<8xf32, #tpu.memory_space<vmem>>
        %dma_wait3A_359 = tpu.memref_slice %arg4[%add3A_343] : memref<32xf32, #tpu.memory_space<hbm>> -> memref<8xf32, #tpu.memory_space<hbm>>
        %dma_wait3A_360 = tpu.memref_slice %arg4[%add3A_343] : memref<32xf32, #tpu.memory_space<hbm>> -> memref<8xf32, #tpu.memory_space<hbm>>
        %dma_wait3A_361 = arith.constant 0 : i32
        %dma_wait3A_362 = tpu.memref_slice %arg17[%dma_wait3A_361] : memref<16xf32, #tpu.memory_space<vmem>> -> memref<8xf32, #tpu.memory_space<vmem>>
        tpu.wait_dma2 semaphore(%run_scoped3A : memref<!tpu.dma_semaphore, #tpu.memory_space<semaphore_mem>>) src(%dma_wait3A_362 : memref<8xf32, #tpu.memory_space<vmem>>) dst(%dma_wait3A_360 : memref<8xf32, #tpu.memory_space<hbm>>)
        tpu.yield
      }) : () -> ()
      %sub3A_344 = arith.constant 1 : i32
      %sub3A_345 = arith.subi %sub3A_344, %arg0 : i32
      %broadcast_in_dim3A_346 = vector.broadcast %sub3A_345 : i32 to vector<16xi32>
      %swap3A_347 = arith.constant 0 : index
      %swap3A_348 = tpu.vector_load %arg18[%swap3A_347] {strides = array<i32>} : memref<16xi32, #tpu.memory_space<vmem>>, vector<16xi32>,
      tpu.vector_store %arg18[%swap3A_347], %broadcast_in_dim3A_346 {strides = array<i32>} : memref<16xi32, #tpu.memory_space<vmem>>, vector<16xi32>,
      %mul3A_349 = arith.constant 8 : i32
      %mul3A_350 = arith.muli %arg0, %mul3A_349 : i32
      "tpu.region"() ({
        %run_scoped3A = tpu.sem_alloc : memref<!tpu.dma_semaphore, #tpu.memory_space<semaphore_mem>>
        %dma_start3A_351 = arith.constant 0 : i32
        %dma_start3A_352 = tpu.memref_slice %arg18[%dma_start3A_351] : memref<16xi32, #tpu.memory_space<vmem>> -> memref<8xi32, #tpu.memory_space<vmem>>
        %dma_start3A_353 = tpu.memref_slice %arg5[%mul3A_350] : memref<16xi32, #tpu.memory_space<hbm>> -> memref<8xi32, #tpu.memory_space<hbm>>
        %dma_start3A_354 = tpu.memref_slice %arg5[%mul3A_350] : memref<16xi32, #tpu.memory_space<hbm>> -> memref<8xi32, #tpu.memory_space<hbm>>
        %dma_start3A_355 = arith.constant 0 : i32
        %dma_start3A_356 = tpu.memref_slice %arg18[%dma_start3A_355] : memref<16xi32, #tpu.memory_space<vmem>> -> memref<8xi32, #tpu.memory_space<vmem>>
        tpu.enqueue_dma source(%dma_start3A_356 : memref<8xi32, #tpu.memory_space<vmem>>) target(%dma_start3A_354 : memref<8xi32, #tpu.memory_space<hbm>>) target_semaphore(%run_scoped3A : memref<!tpu.dma_semaphore, #tpu.memory_space<semaphore_mem>>)
        %dma_wait3A_357 = arith.constant 0 : i32
        %dma_wait3A_358 = tpu.memref_slice %arg18[%dma_wait3A_357] : memref<16xi32, #tpu.memory_space<vmem>> -> memref<8xi32, #tpu.memory_space<vmem>>
        %dma_wait3A_359 = tpu.memref_slice %arg5[%mul3A_350] : memref<16xi32, #tpu.memory_space<hbm>> -> memref<8xi32, #tpu.memory_space<hbm>>
        %dma_wait3A_360 = tpu.memref_slice %arg5[%mul3A_350] : memref<16xi32, #tpu.memory_space<hbm>> -> memref<8xi32, #tpu.memory_space<hbm>>
        %dma_wait3A_361 = arith.constant 0 : i32
        %dma_wait3A_362 = tpu.memref_slice %arg18[%dma_wait3A_361] : memref<16xi32, #tpu.memory_space<vmem>> -> memref<8xi32, #tpu.memory_space<vmem>>
        tpu.wait_dma2 semaphore(%run_scoped3A : memref<!tpu.dma_semaphore, #tpu.memory_space<semaphore_mem>>) src(%dma_wait3A_362 : memref<8xi32, #tpu.memory_space<vmem>>) dst(%dma_wait3A_360 : memref<8xi32, #tpu.memory_space<hbm>>)
        tpu.yield
      }) : () -> ()
    } else {
    }
    return
  }
}

</mosaic_0001>

<sc_bundles>
// kernel: _sc_call.3.cloned.1.call-start
scs
__scs_entry_jumppad:
0x0: {  	(pc) =	sbr.rel $0x88, $3  }
0x1: {  	(tag) =	ssettag $0x0;
	lr =	simm.s32 $0x1  }
0x2: {  	[smem:$0x3F9F] =	sst lr;
	_ =	strace $0xD0000000  }
0x3: {  	_ = 	snop  }
0x4: {  	_ = 	snop  }
0x5: {  	_ = 	snop  }
0x6: {  	_ = 	snop  }
0x7: {  	_ = 	snop  }
__scs_overlays_trampoline_lowered:
0x8: {  	[smem:$0x3FAE] =	sst s0  }
0x9: {  	[smem:$0x3FAF] =	sst s1  }
0xa: {  	[smem:$0x3FB0] =	sst s2  }
0xb: {  	[smem:$0x3FB1] =	sst s3  }
0xc: {  	[smem:$0x3FB2] =	sst s4  }
0xd: {  	[smem:$0x3FB3] =	sst s5  }
0xe: {  	[smem:$0x3FB4] =	sst s6  }
0xf: {  	[smem:$0x3FB5] =	sst s7  }
0x10: {  	[smem:$0x3FB6] =	sst s8  }
0x11: {  	[smem:$0x3FB7] =	sst s9;
	s0 =	simm.s32 @!p0 $0x0  }
0x12: {  	s1 =	sld [smem:$0x3F9D];
	s0 =	simm.s32 @p0 $0x1  }
0x13: {  	[smem:$0x3FB8] =	sst s0;
	s0 =	simm.s32 @!p1 $0x0  }
0x14: {  	s2 =	sld [smem:$0x3F9C];
	s0 =	simm.s32 @p1 $0x1  }
0x15: {  	[smem:$0x3FB9] =	sst s0;
	s0 =	simm.s32 @!p2 $0x0  }
0x16: {  	s3 =	sld [smem:$0x3FDB];
	s0 =	simm.s32 @p2 $0x1  }
0x17: {  	s4 =	simm.s32 $0x1BF5;
	[smem:$0x3FBB] =	sst s0  }
0x18: {  	s0 =	sld [smem:$0x3F9E];
	_ =	swait.ge [sflag:s4], $0x0  }
0x19: {  	s7 =	sld [smem:$0x3F9F]  }
0x1a: {  	s8 =	sadd.s32 $0xFFFFE003, lr  }
0x1b: {  	s9 =	sadd.s32 $0xFFFFFEF7, lr;
	s5 =	simm.s32 $0xFFFFFFFF;
	p2 =	slt.u32 s8, $0xFFFFF086  }
0x1c: {  	p1 =	slt.u32 s9, $0xF7A;
	s5 =	simm.s32 @!p2 $0x0  }
0x1d: {  	s5 =	simm.s32 @p1 $0x1;
	p0 =	seq.s32 s7, s2  }
0x1e: {  	s7 =	smul.u32 @!p0 $0xF7A, s2;
	p2 =	seq.s32 @!p0 s5, $0x0  }
0x1f: {  	s9 =	smul.u32 $0xF7A, s1;
	s8 =	simm.s32 @!p0 $0x1BF5;
	p2 =	por !p2, p0  }
0x20: {  	[sflag:s8] =	ssyncset.s32 @!p0 $0xFFFFF086;
	s6 =	sadd.s32 @!p0 s3, s7;
	s7 =	simm.s32 @!p0 $0x108  }
0x21: {  	s3 =	sadd.s32 s3, s9;
	s6 =	sadd.s32 @!p0 $0x88, s6;
	s7 =	simm.s32 @p2 $0x1082  }
0x22: {  	[simem:s7], [sflag:s8] =	dma.local @!p0 [hbm:s6], $0xF7A  }
0x23: {  	s9 =	sor.u32 $0xD0000000, s2;
	s6 =	simm.s32 $0x108;
	_ =	swait.ge @!p0 [sflag:s8], $0x0  }
0x24: {  	s3 =	sadd.s32 $0x88, s3;
	s6 =	simm.s32 @!p1 $0x1082;
	[sflag:s4] =	ssyncset.s32 $0xFFFFF086  }
0x25: {  	[simem:s6], [sflag:s4] =	dma.local [hbm:s3], $0xF7A  }
0x26: {  	[smem:$0x3F9F] =	sst s1;
	(tag) =	ssettag s2;
	_ =	strace s9  }
0x27: {  	s1 =	sld [smem:$0x3FAF]  }
0x28: {  	s2 =	sld [smem:$0x3FB0]  }
0x29: {  	s4 =	sld [smem:$0x3FB2]  }
0x2a: {  	p0 =	seq.s32 s5, $0x0;
	s5 =	sld [smem:$0x3FB3]  }
0x2b: {  	s6 =	sld [smem:$0x3FB4]  }
0x2c: {  	s7 =	sld [smem:$0x3FB5]  }
0x2d: {  	s3 =	simm.s32 $0x108;
	s8 =	sld [smem:$0x3FB6]  }
0x2e: {  	s3 =	simm.s32 @!p0 $0x1082;
	s9 =	sld [smem:$0x3FB7]  }
0x2f: {  	lr =	sadd.s32 s0, s3;
	s0 =	sld [smem:$0x3FAE]  }
0x30: {  	s3 =	sld [smem:$0x3FB1]  }
0x31: {  	[smem:$0x3FBA] =	sst s10  }
0x32: {  	s10 =	sld [smem:$0x3FB8];
	_ =	sdelay $0x3  }
0x33: {  	p0 =	seq.s32 s10, $0x1;
	s10 =	sld [smem:$0x3FBA];
	_ =	sdelay $0x3  }
0x34: {  	[smem:$0x3FBA] =	sst s10  }
0x35: {  	s10 =	sld [smem:$0x3FB9];
	_ =	sdelay $0x3  }
0x36: {  	p1 =	seq.s32 s10, $0x1;
	s10 =	sld [smem:$0x3FBA];
	_ =	sdelay $0x3  }
0x37: {  	[smem:$0x3FBA] =	sst s10  }
0x38: {  	s10 =	sld [smem:$0x3FBB]  }
0x39: {  	_ = 	snop;
	(pc) =	sbr.ind lr, $3  }
0x3a: {  	_ = 	snop  }
0x3b: {  	_ = 	snop  }
0x3c: {  	p2 =	seq.s32 s10, $0x1;
	s10 =	sld [smem:$0x3FBA]  }
0x3d: {  	_ =	shalt  }
0x3e: {  	_ =	shalt  }
0x3f: {  	_ =	shalt  }
0x40: {  	_ =	shalt  }
0x41: {  	_ =	shalt  }
0x42: {  	_ =	shalt  }
0x43: {  	_ =	shalt  }
0x44: {  	_ =	shalt  }
0x45: {  	_ =	shalt  }
0x46: {  	_ =	shalt  }
0x47: {  	_ =	shalt  }
0x48: {  	_ =	shalt  }
0x49: {  	_ =	shalt  }
0x4a: {  	_ =	shalt  }
0x4b: {  	_ =	shalt  }
0x4c: {  	_ =	shalt  }
0x4d: {  	_ =	shalt  }
0x4e: {  	_ =	shalt  }
0x4f: {  	_ =	shalt  }
0x50: {  	_ =	shalt  }
0x51: {  	_ =	shalt  }
0x52: {  	_ =	shalt  }
0x53: {  	_ =	shalt  }
0x54: {  	_ =	shalt  }
0x55: {  	_ =	shalt  }
0x56: {  	_ =	shalt  }
0x57: {  	_ =	shalt  }
0x58: {  	_ =	shalt  }
0x59: {  	_ =	shalt  }
0x5a: {  	_ =	shalt  }
0x5b: {  	_ =	shalt  }
0x5c: {  	_ =	shalt  }
0x5d: {  	_ =	shalt  }
0x5e: {  	_ =	shalt  }
0x5f: {  	_ =	shalt  }
0x60: {  	_ =	shalt  }
0x61: {  	_ =	shalt  }
0x62: {  	_ =	shalt  }
0x63: {  	_ =	shalt  }
0x64: {  	_ =	shalt  }
0x65: {  	_ =	shalt  }
0x66: {  	_ =	shalt  }
0x67: {  	_ =	shalt  }
0x68: {  	_ =	shalt  }
0x69: {  	_ =	shalt  }
0x6a: {  	_ =	shalt  }
0x6b: {  	_ =	shalt  }
0x6c: {  	_ =	shalt  }
0x6d: {  	_ =	shalt  }
0x6e: {  	_ =	shalt  }
0x6f: {  	_ =	shalt  }
0x70: {  	_ =	shalt  }
0x71: {  	_ =	shalt  }
0x72: {  	_ =	shalt  }
0x73: {  	_ =	shalt  }
0x74: {  	_ =	shalt  }
0x75: {  	_ =	shalt  }
0x76: {  	_ =	shalt  }
0x77: {  	_ =	shalt  }
0x78: {  	_ =	shalt  }
0x79: {  	_ =	shalt  }
0x7a: {  	_ =	shalt  }
0x7b: {  	_ =	shalt  }
0x7c: {  	_ =	shalt  }
0x7d: {  	_ =	shalt  }
0x7e: {  	_ =	shalt  }
0x7f: {  	_ =	shalt  }
0x80: {  	_ =	shalt  }
0x81: {  	_ =	shalt  }
0x82: {  	_ =	shalt  }
0x83: {  	_ =	shalt  }
0x84: {  	_ =	shalt  }
0x85: {  	_ =	shalt  }
0x86: {  	_ =	shalt  }
0x87: {  	_ =	shalt  }
.Lfunc_end0:
.L_simem_size_0:
called_computation_lowered:
.L_overlay_start_0:
0x88: {  	s2 =	sld [smem:$0x3FD9]  }
0x89: {  	s3 =	sld [smem:$0x3FFE];
	_ =	sdelay $0x1  }
0x8a: {  	s1 =	srdreg.scid  }
0x8b: {  	s0 =	sand.u32 $0x1, s1  }
0x8c: {  	s15 =	sshll.u32 s0, $0xA;
	s2 =	sadd.s32 s3, s2  }
0x8d: {  	s2 =	sadd.s32 s2, s15  }
0x8e: {  	[smem:$0x3FC6] =	sst s2  }
0x8f: {  	_ = 	snop  }
0x90: {  	s2 =	sld [smem:$0x3FD0];
	_ =	sdelay $0x1  }
0x91: {  	s16 =	sld [smem:$0x3FC9]  }
0x92: {  	s5 =	simm.s32 $0xA;
	s6 =	simm.s32 $0x10;
	s4 =	sld [smem:$0x3FC8]  }
0x93: {  	[smem:s6], [sflag:s5] =	dma.local [hbm:s2], $0x1  }
0x94: {  	_ =	swait.eq [sflag:s5], $0x1  }
0x95: {  	[sflag:s5] =	ssyncset.done $0x0  }
0x96: {  	s17 =	sld [smem:$0x10];
	[sflag:s5] =	ssyncadd.s32 $0xFFFFFFFF  }
0x97: {  	s18 =	sld [smem:$0x11];
	(tm) =	ssettm $0x1  }
0x98: {  	s19 =	sld [smem:$0x3FFB];
	_ =	sdelay $0x3  }
0x99: {  	_ =	strace s19  }
0x9a: {  	s6 =	sld [smem:$0x3FFC];
	_ =	sdelay $0x3  }
0x9b: {  	_ =	strace s6  }
0x9c: {  	s6 =	sld [smem:$0x3FFD];
	_ =	sdelay $0x3  }
0x9d: {  	_ =	strace s6  }
0x9e: {  	_ =	strace $0x8FFFFFFF  }
0x9f: {  	s20 =	sld [smem:$0x3FDB];
	_ =	sdelay $0x1  }
0xa0: {  	s7 =	simm.s32 $_scs_section_size  }
0xa1: {  	s8 =	simm.s32 $_size__tile_overlayer_lowered;
	s9 =	simm.s32 $_tile_overlayer_lowered  }
0xa2: {  	s23 =	simm.s32 $0x1BFF;
	s22 =	sshll.u32 s9, $0x1;
	s6 =	sadd.s32 s7, s20  }
0xa3: {  	s10 =	simm.s32 $0x0;
	s21 =	sshll.u32 s8, $0x1;
	s8 =	sadd.s32 s22, s6  }
0xa4: {  	[timem:s10], [sflag:s23] =	dma.local [hbm:s8], s21  }
0xa5: {  	_ =	swait.ge [sflag:s23], s21  }
0xa6: {  	s7 =	ssub.s32 $0x0, s21;
	[sflag:s23] =	ssyncset.done $0x0  }
0xa7: {  	[sflag:s23] =	ssyncadd.s32 s7;
	_ =	sdelay $0x1  }
0xa8: {  	s24 =	simm.s32 $0x1B8B  }
0xa9: {  	_ =	swait.ge [sflag:s24], $0x1  }
0xaa: {  	[sflag:s24] =	ssyncset.done $0x0  }
0xab: {  	s25 =	simm.s32 $0x1B8E;
	[sflag:s24] =	ssyncadd.s32 $0xFFFFFFFF  }
0xac: {  	s26 =	simm.s32 $execute0_lowered;
	[smem:$0x3FD2] =	sst s25  }
0xad: {  	s7 =	sshll.u32 s26, $0x1;
	_ =	strace $0x80000046;
	[dreg:$0x1] =	wrdreg $0xFFFFFFFF  }
0xae: {  	s28 =	simm.s32 $_size_execute0_lowered;
	s6 =	sadd.s32 s6, s7;
	[dreg:$0x0] =	wrdreg $0x0  }
0xaf: {  	s7 =	sshll.u32 s28, $0x1;
	[dreg:$0x2] =	wrdreg s6  }
0xb0: {  	[dreg:$0x3] =	wrdreg s7  }
0xb1: {  	[dreg:$0x4] =	wrdreg $0xC0  }
0xb2: {  	_ =	task [dreg:s10], $0x5FFFF  }
0xb3: {  	[dreg:$0x1] =	wrdreg $0xFFFFFFFF  }
0xb4: {  	[dreg:$0x0] =	wrdreg $0x60  }
0xb5: {  	[dreg:$0x2] =	wrdreg s16  }
0xb6: {  	[dreg:$0x3] =	wrdreg s4  }
0xb7: {  	[dreg:$0x4] =	wrdreg s17  }
0xb8: {  	[dreg:$0x5] =	wrdreg s18  }
0xb9: {  	[dreg:$0x6] =	wrdreg $0x5200  }
0xba: {  	[dreg:$0x7] =	wrdreg $0x5300  }
0xbb: {  	[dreg:$0x8] =	wrdreg $0x9  }
0xbc: {  	_ =	task.clear_ibuf [dreg:s10], $0x9FFFF;
	_ =	strace $0x90000046  }
0xbd: {  	s29 =	simm.s32 $0x9;
	_ =	strace $0x80000048  }
0xbe: {  	_ =	swait.ge [sflag:s29], $0x1  }
0xbf: {  	[sflag:s29] =	ssyncadd.s32 $0xFFFFFFFF  }
0xc0: {  	_ =	strace $0x90000048  }
0xc1: {  	_ =	sfence  }
0xc2: {  	s30 =	sld [smem:$0x0];
	_ =	sdelay $0x2  }
0xc3: {  	s31 =	sshll.u32 s1, $0xD;
	s1 =	sshrl.u32 s1, $0x2  }
0xc4: {  	s3 =	sand.u32 $0x4000, s31;
	s1 =	sadd.s32 s1, s30  }
0xc5: {  	s0 =	sor.u32 s3, s0;
	s1 =	sshll.u32 s1, $0x11  }
0xc6: {  	s0 =	sor.u32 s1, s0  }
0xc7: {  	s0 =	sadd.s32 $0x8F2B, s0  }
0xc8: {  	[sflag:s0] =	ssyncadd.remote.s32 $0x1  }
0xc9: {  	_ =	sfence.sel $0xFFFF  }
0xca: {  	[dreg:$0x0] =	wrdreg $0xFFFFFFFF;
	(pc) =	sbr.abs _section_cstart, $3  }
0xcb: {  	[dreg:$0x1] =	wrdreg $0xFFFFFFFF  }
0xcc: {  	_ =	task.clear_ibuf [dreg:s10], $0x2FFFF;
	_ =	strace $0x9FFFFFFF  }
0xcd: {  	(tm) =	ssettm $0x7FFFFFFF  }
tec
execute0_lowered:
.L_overlay_start_1:
0x0: {  	(tag) =	ssettag $0x1  }
0x1: {  	s6 =	rddreg [dreg:$0x0]  }
0x2: {  	s7 =	rddreg [dreg:$0x2]  }
0x3: {  	s11 =	rddreg [dreg:$0x3]  }
0x4: {  	s2 =	rddreg [dreg:$0x4]  }
0x5: {  	s3 =	rddreg [dreg:$0x5];
	s13 =	stileid.u32;
	s4 =	simm.s32 $0x0  }
0x6: {  	s5 =	srdreg.scid;
	s18 =	simm.s32 $0x4B00;
	s16 =	simm.f32 $1.000000000e+00  }
0x7: {  	s17 =	simm.s32 $0x540;
	s20 =	simm.s32 $0x740;
	s21 =	simm.s32 $0x750  }
0x8: {  	s22 =	simm.s32 $0x2;
	s23 =	simm.s32 $0x2B58;
	s24 =	simm.s32 $0x2B68  }
0x9: {  	s25 =	simm.s32 $0x2B78;
	s26 =	simm.s32 $0x0;
	s15 =	smul.u32 $0x500, s13  }
0xa: {  	[smem:$0x7FF] =	sst s4;
	s12 =	sand.u32 $0x1, s5;
	p0 =	seq.s32 s13, $0xF  }
0xb: {  	s31 =	sshll.u32 s13, $0x4;
	_ =	strace $0x80000047;
	s5 =	ssub.s32 $0x2, s12  }
0xc: {  	s18 =	simm.s32 @!p0 $0x0;
	s7 =	sadd.s32 s7, s12;
	s19 =	sxor.u32 $0x1, s12  }
0xd: {  	s11 =	sadd.s32 s11, s12;
	s15 =	simm.s32 @p0 $0x4920;
	s8 =	sshrl.u32 s5, $0x1  }
0xe: {  	p0 =	seq.s32 s12, $0x0;
	s10 =	sadd.s32 $0x2, s7;
	v3 =	vmov s18;
	s18 =	simm.s32 $0x640  }
.Ltmp0:
0xf: {  	v4 =	vmov s19;
	s19 =	simm.s32 $0x10;
	s9 =	sshrl.u32 s15, $0x3;
	(pc) =	sbr.rel .LBB2_1-.Ltmp0, $4  }
0x10: {  	v0 =	vlaneseq.u32;
	s14 =	ssub.s32 s5, s8;
	s16 =	simm.s32 @!p0 $0xBF800000;
	s8 =	sadd.s32 s31, s2  }
0x11: {  	p0 =	sne.s32 s13, $0x0;
	s13 =	simm.s32 $0x1;
	v1 =	vor.u32 s15, v0;
	s15 =	simm.s32 $0x3  }
0x12: {  	s5 =	sadd.s32 s6, s9;
	s6 =	sadd.s32 $0x9C4, s6;
	s9 =	sadd.s32 s31, s3  }
0x13: {  	s12 =	smax.u32 s14, $0x1;
	s14 =	simm.s32 $0x500;
	v2 =	vmov s16;
	s16 =	simm.s32 $0x510  }
.LBB2_12:
0x14: {  	v35 =	vmul.f32 v28, v21  }
0x15: {  	v57 =	vmul.f32 v28, v22  }
0x16: {  	v58 =	vmul.f32 v32, v21;
	v30 =	vadd.f32 v35, v30  }
0x17: {  	v59 =	vmul.f32 v32, v22;
	v17 =	vadd.f32 v57, v17  }
0x18: {  	v60 =	vmul.f32 v31, v21;
	v19 =	vadd.f32 v58, v19;
	(xrf2) =	vadd.scan.msk.f32 $0xffff, v30  }
0x19: {  	v29 =	vadd.f32 v34, v29;
	v61 =	vmul.f32 v31, v22;
	v16 =	vadd.f32 v59, v16;
	(xrf2) =	vadd.scan.msk.f32 $0xffff, v17  }
0x1a: {  	v11 =	vadd.f32 v33, v11;
	v63 =	vmul.f32 v10, v21;
	v62 =	vadd.f32 v60, v20;
	(xrf2) =	vadd.scan.msk.f32 $0xffff, v19  }
0x1b: {  	v31 =	vmul.f32 v10, v22;
	v32 =	vadd.f32 v61, v29;
	v30 =	vadd.f32 v23, v25;
	(xrf2) =	vadd.scan.msk.f32 $0xffff, v16  }
0x1c: {  	v33 =	vmul.f32 v26, v21;
	v11 =	vadd.f32 v63, v11;
	(xrf2) =	vadd.scan.msk.f32 $0xffff, v62  }
0x1d: {  	v34 =	vadd.f32 v27, v24;
	v35 =	vmul.f32 v26, v22;
	v10 =	vadd.f32 v31, v30;
	(xrf2) =	vadd.scan.msk.f32 $0xffff, v32  }
0x1e: {  	v36 =	vmul.f32 v9, v21;
	v16 =	vadd.f32 v33, v18;
	(xrf2) =	vadd.scan.msk.f32 $0xffff, v11  }
0x1f: {  	v37 =	vmul.f32 v9, v22;
	v38 =	vadd.f32 v35, v34;
	(xrf2) =	vadd.scan.msk.f32 $0xffff, v10  }
0x20: {  	v39 =	vmul.f32 v8, v21;
	v40 =	vmul.f32 v8, v22;
	v12 =	vadd.f32 v36, v12;
	(xrf2) =	vadd.scan.msk.f32 $0xffff, v16  }
0x21: {  	v41 =	vmul.f32 v14, v21;
	v9 =	vadd.f32 v37, v15;
	(xrf2) =	vadd.scan.msk.f32 $0xffff, v38  }
0x22: {  	v43 =	vmul.f32 v14, v22;
	v7 =	vadd.f32 v40, v7;
	v10 =	vadd.f32 v39, v13;
	v42, _, _ =	vpop (xrf2);
	(xrf2) =	vadd.scan.msk.f32 $0xffff, v12  }
0x23: {  	v5 =	vadd.f32 v41, v5;
	v44, _, _ =	vpop (xrf2);
	(xrf2) =	vadd.scan.msk.f32 $0xffff, v9  }
0x24: {  	v6 =	vadd.f32 v43, v6;
	v45, _, _ =	vpop (xrf2);
	(xrf2) =	vadd.scan.msk.f32 $0xffff, v10  }
0x25: {  	v46, _, _ =	vpop (xrf2);
	(xrf2) =	vadd.scan.msk.f32 $0xffff, v7  }
0x26: {  	vm0 =	vmmov $0x1;
	v7, _, _ =	vpop (xrf2);
	(xrf2) =	vadd.scan.msk.f32 $0xffff, v5  }
0x27: {  	vm9 =	vcmask $0x320;
	vm10 =	vcmask $0x720;
	vm11 =	vcmask $0xB20;
	v5, _, _ =	vpop (xrf2);
	(xrf2) =	vadd.scan.msk.f32 $0xffff, v6  }
0x28: {  	vm12 =	vcmask $0xF20;
	vm13 =	vcmask $0x1320;
	v47 =	vbroadcast v42, $0xF;
	v6, _, _ =	vpop (xrf2)  }
0x29: {  	vm14 =	vcmask $0x1720;
	vm15 =	vcmask $0x1B20;
	v8 =	vbroadcast v44, $0xF;
	v48, _, _ =	vpop (xrf2)  }
0x2a: {  	v11 =	vnsel vm0, $0x0, v47;
	v9 =	vbroadcast v45, $0xF;
	v10 =	vbroadcast v46, $0xF;
	v49, _, _ =	vpop (xrf2)  }
0x2b: {  	v8 =	vnsel vm0, $0x0, v8;
	v7 =	vbroadcast v7, $0xF;
	v5 =	vbroadcast v5, $0xF;
	v50, _, _ =	vpop (xrf2)  }
0x2c: {  	v9 =	vsel vm9, v11, v9;
	v8 =	vsel vm9, v8, v10;
	v6 =	vbroadcast v6, $0xF;
	v51, _, _ =	vpop (xrf2)  }
0x2d: {  	v7 =	vsel vm10, v9, v7;
	v5 =	vsel vm10, v8, v5;
	v53 =	vbroadcast v48, $0xF;
	v52, _, _ =	vpop (xrf2)  }
0x2e: {  	v56 =	vld [tilespmem:$0x2750];
	v6 =	vsel vm11, v7, v6;
	v7 =	vbroadcast v49, $0xF;
	v55 =	vbroadcast v50, $0xF;
	v54, _, _ =	vpop (xrf2)  }
0x2f: {  	v5 =	vsel vm11, v5, v53;
	v58 =	vbroadcast v51, $0xF;
	v10 =	vbroadcast v52, $0xF;
	v57, _, _ =	vpop (xrf2)  }
0x30: {  	v6 =	vsel vm12, v6, v7;
	v5 =	vsel vm12, v5, v55;
	v7 =	vbroadcast v54, $0xF;
	v59, _, _ =	vpop (xrf2)  }
0x31: {  	v6 =	vsel vm13, v6, v58;
	v5 =	vsel vm13, v5, v10;
	v60 =	vbroadcast v57, $0xF;
	v61, _, _ =	vpop (xrf2)  }
0x32: {  	v6 =	vsel vm14, v6, v7;
	v7 =	vbroadcast v59, $0xF;
	v9 =	vbroadcast v61, $0xF  }
0x33: {  	v63 =	vbroadcast v56, $0x1;
	v62 =	vbroadcast v56, $0x0;
	v5 =	vsel vm14, v5, v60  }
0x34: {  	v6 =	vsel vm15, v6, v7;
	v5 =	vsel vm15, v5, v9  }
0x35: {  	v6 =	vadd.f32 v62, v6;
	v5 =	vadd.f32 v63, v5;
	_ =	sdelay $0x1  }
0x36: {  	v7 =	vsub.f32 v5, v6;
	_ =	sdelay $0x1  }
0x37: {  	v7 =	vmul.f32 $1.442695020e+00, v7;
	_ =	sdelay $0x1  }
0x38: {  	(erf) = vpow2.f32 v7;
	_ =	sdelay $0x8  }
0x39: {  	v5 =	vsub.f32 v6, v5;
	v7 =	vpop (erf)  }
0x3a: {  	v6 =	vadd.f32 $1.000000000e+00, v7  }
0x3b: {  	v5 =	vmul.f32 $1.442695020e+00, v5  }
0x3c: {  	(erf) = vrcp.f32 v6  }
0x3d: {  	(erf) = vpow2.f32 v5;
	_ =	sdelay $0x7  }
0x3e: {  	v5 =	vpop (erf)  }
0x3f: {  	v6 =	vpop (erf)  }
0x40: {  	v6 =	vadd.f32 $1.000000000e+00, v6;
	_ =	sdelay $0x1  }
0x41: {  	(erf) = vrcp.f32 v6;
	_ =	sdelay $0x8  }
0x42: {  	[tilespmem:$0x2B58] =	vst v5;
	v5 =	vpop (erf)  }
0x43: {  	[tilespmem:$0x2B68] =	vst v5  }
0x44: {  	[hbm4b:s7+s4] =	stream.linear.scatter [tilespmem:s23], [sflag:$0x3], $0x8, $0x38;
	[tilespmem:$0x2B88] =	vst v63  }
0x45: {  	_ =	swait.ge [sflag:s15], $0x8  }
0x46: {  	[sflag:s15] =	ssyncset.done $0x0  }
0x47: {  	[sflag:s15] =	ssyncadd.s32 $0xFFFFFFF8  }
0x48: {  	[hbm4b:s10+s4] =	stream.linear.scatter [tilespmem:s24], [sflag:$0x3], $0x8, $0x38;
	[tilespmem:$0x2B88] =	vst v63  }
0x49: {  	_ =	swait.ge [sflag:s15], $0x8  }
0x4a: {  	[sflag:s15] =	ssyncset.done $0x0  }
0x4b: {  	[sflag:s15] =	ssyncadd.s32 $0xFFFFFFF8  }
0x4c: {  	[tilespmem:$0x2B78] =	vst v4  }
0x4d: {  	[hbm4b:s11+s4] =	stream.linear.scatter [tilespmem:s25], [sflag:$0x3], $0x8, $0x38;
	[tilespmem:$0x2B88] =	vst v63  }
0x4e: {  	_ =	swait.ge [sflag:s15], $0x8  }
0x4f: {  	[sflag:s15] =	ssyncset.done $0x0  }
0x50: {  	[sflag:s15] =	ssyncadd.s32 $0xFFFFFFF8  }
.LBB2_13:
0x51: {  	s26 =	sadd.s32 $0x1, s26  }
0x52: {  	p1 =	sne.s32 s26, s12  }
.Ltmp1:
0x53: {  	_ = 	snop;
	(pc) =	sbr.rel @!p1 .LBB2_14-.Ltmp1, $1  }
0x54: {  	_ =	sdelay $0x3  }
.LBB2_1:
0x55: {  	[tilespmem:s4], [sflag:$0x1] =	stream.linear.gather [hbm4b:s5+s4], $0x500, $0x38;
	[tilespmem:$0x2B88] =	vst v63  }
0x56: {  	s28 =	simm.s32 @!p0 $0x0;
	s29 =	simm.s32 @!p0 $0x2750  }
0x57: {  	[tilespmem:s29], [sflag:$0x2] =	stream.linear.gather @!p0 [hbm4b:s6+s28], $0x408, $0x38;
	[tilespmem:$0x2B88] =	vst v63  }
0x58: {  	_ =	swait.ge [sflag:s13], $0x500  }
0x59: {  	[sflag:s13] =	ssyncset.done $0x0  }
0x5a: {  	s28 =	simm.s32 $0x20;
	[sflag:s13] =	ssyncadd.s32 $0xFFFFFB00  }
0x5b: {  	v6 =	vld [tilespmem:s28+$0xFFFFFFE0]  }
0x5c: {  	v7 =	vld [tilespmem:s28+$0x0]  }
0x5d: {  	v8 =	vld [tilespmem:s28+$0x10]  }
0x5e: {  	v9 =	vld [tilespmem:s28+$0xFFFFFFF0]  }
0x5f: {  	s31 =	simm.s32 $0x0  }
0x60: {  	s1 =	simm.s32 $0x10;
	v5 =	vimm.f32 $-2.000000000e+00;
	v10 =	vimm.s32 $0x40000000;
	s30 =	simm.s32 $0x30;
	v14 =	vadd.s32 s31, v1  }
0x61: {  	v11 =	vadd.s32 s1, v1;
	v12 =	vadd.s32 s30, v1;
	vm0 =	vlt.u32 v14, v3;
	s28 =	simm.s32 $0x20  }
0x62: {  	v13 =	vadd.s32 s28, v1;
	v6 =	vmul.f32 v6, v2;
	v7 =	vmul.f32 v7, v2  }
0x63: {  	vm1 =	vlt.u32 v13, v3;
	v8 =	vmul.f32 v8, v2;
	v9 =	vmul.f32 v9, v2  }
0x64: {  	v6 =	vsel vm0, $0xC0400000, v6;
	vm0 =	vlt.u32 v11, v3;
	v7 =	vsel vm1, $0xC0400000, v7  }
0x65: {  	vm1 =	vlt.u32 v12, v3;
	vm2 =	vgt.f32 v6, v5;
	v9 =	vsel vm0, $0xC0400000, v9  }
0x66: {  	v15 =	vsel vm2, v14, v10;
	v16 =	vsel vm2, v5, v6;
	v6 =	vsel vm2, v6, v5  }
0x67: {  	v14 =	vsel vm2, v10, v14;
	v16 =	vsel vm2, v16, v5;
	vm0 =	vgt.f32 v9, v6  }
0x68: {  	v10 =	vsel vm2, v14, v10;
	v14 =	vsel vm0, v9, v6;
	vm2 =	vgt.f32 v9, v16  }
0x69: {  	v18 =	vsel vm0, v11, v15;
	v6 =	vsel vm0, v6, v9;
	v17 =	vsel vm2, v16, v9  }
0x6a: {  	v9 =	vsel vm0, v15, v11;
	v15 =	vsel vm1, $0xC0400000, v8;
	v8 =	vsel vm2, v10, v11  }
0x6b: {  	vm0 =	vgt.f32 v7, v14;
	v11 =	vsel vm2, v17, v16;
	v17 =	vsel vm2, v6, v16  }
0x6c: {  	v19 =	vsel vm0, v13, v18;
	v16 =	vsel vm0, v7, v14;
	v9 =	vsel vm2, v9, v10  }
0x6d: {  	v6 =	vsel vm0, v18, v13;
	v8 =	vsel vm2, v8, v10;
	v10 =	vsel vm0, v14, v7  }
0x6e: {  	vm1 =	vgt.f32 v7, v17;
	vm7 =	vgt.f32 v15, v16;
	vm2 =	vgt.f32 v7, v11  }
0x6f: {  	v22 =	vsel vm1, v6, v9;
	v6 =	vsel vm7, v12, v19;
	v23 =	vsel vm7, v19, v12  }
0x70: {  	v9 =	vsel vm1, v9, v13;
	v19 =	vsel vm7, v16, v15;
	v14 =	vsel vm2, v11, v7  }
0x71: {  	v13 =	vsel vm2, v8, v13;
	v7 =	vsel vm1, v17, v7;
	v20 =	vsel vm1, v10, v17  }
0x72: {  	v10 =	vsel vm2, v7, v11;
	v18 =	vsel vm2, v9, v8;
	vm8 =	vgt.f32 v15, v20  }
0x73: {  	v21 =	vsel vm2, v14, v11;
	v17 =	vsel vm2, v13, v8;
	v7 =	vsel vm8, v20, v15  }
0x74: {  	vm0 =	vgt.f32 v15, v10;
	vm10 =	vgt.f32 v15, v21;
	vm12 =	vgt.f32 v15, v21  }
0x75: {  	v9 =	vsel vm0, v7, v10;
	v7 =	vsel vm8, v22, v12;
	v25 =	vsel vm12, v21, v15  }
0x76: {  	v8 =	vsel vm12, v17, v12;
	v27 =	vsel vm12, v21, v15;
	v11 =	vsel vm0, v10, v15  }
0x77: {  	v29 =	vmovc v17;
	v26 =	vmovc v21;
	v13 =	vsel vm12, v21, v15;
	vm1 =	vmmov vm12;
	vm11 =	vmmov vm12  }
0x78: {  	v28 =	vmovc v21;
	v24 =	vmovc v17;
	vm9 =	vmmov vm12;
	v7 =	vsel vm0, v7, v18;
	v18 =	vsel vm0, v18, v12  }
0x79: {  	s30 =	simm.s32 $0x70;
	s28 =	simm.s32 $0x60;
	v14 =	vmovc v21;
	v10 =	vsel vm12, v8, v17;
	v11 =	vsel vm12, v11, v21;
	v8 =	vsel vm12, v8, v17  }
.LBB2_2:
0x7a: {  	s31 =	sadd.s32 $0xFFFFFFE0, s30  }
0x7b: {  	v30 =	vld [tilespmem:s28+$0xFFFFFFE0];
	s0 =	sadd.s32 $0xFFFFFFF0, s30;
	v31 =	vsel vm12, v17, v12;
	v32 =	vsel vm10, v21, v15;
	v33 =	vsel vm1, v13, v14;
	s1 =	smov.u32 s30;
	s29 =	sadd.s32 $0x40, s30  }
0x7c: {  	p1 =	sne.s32 s30, $0x4F0;
	v12 =	vsel vm10, v29, v12;
	v14 =	vadd.s32 s31, v1;
	v13 =	vadd.s32 s0, v1;
	v34 =	vld [tilespmem:s28+$0x0]  }
0x7d: {  	v18 =	vsel vm12, v18, v17;
	v25 =	vsel vm9, v25, v28;
	v26 =	vsel vm11, v32, v26;
	v35 =	vld [tilespmem:s28+$0x10]  }
0x7e: {  	v19 =	vsel vm8, v19, v20;
	v20 =	vsel vm10, v27, v21;
	v21 =	vsel vm10, v31, v29  }
0x7f: {  	v15 =	vsel vm7, v15, v16;
	v16 =	vsel vm8, v23, v22;
	s0 =	sadd.s32 $0xFFFFFFD0, s1;
	v22 =	vsel vm11, v12, v24;
	v27 =	vld [tilespmem:s28+$0xFFFFFFF0]  }
0x80: {  	v12 =	vadd.s32 s1, v1;
	v23 =	vadd.s32 s0, v1;
	v17 =	vmul.f32 v30, v2  }
0x81: {  	vm1 =	vlt.u32 v13, v3;
	vm0 =	vlt.u32 v23, v3;
	v24 =	vmul.f32 v34, v2  }
0x82: {  	vm2 =	vlt.u32 v14, v3;
	v28 =	vsel vm0, $0xC0400000, v17;
	v29 =	vmul.f32 v35, v2  }
0x83: {  	vm9 =	vgt.f32 v28, v15;
	vm12 =	vgt.f32 v28, v19;
	vm0 =	vgt.f32 v28, v26  }
0x84: {  	vm8 =	vgt.f32 v28, v11;
	v30 =	vsel vm9, v23, v6;
	v31 =	vsel vm9, v15, v28  }
0x85: {  	vm7 =	vgt.f32 v28, v9;
	v6 =	vsel vm9, v6, v23;
	v32 =	vsel vm8, v11, v28  }
0x86: {  	v17 =	vsel vm1, $0xC0400000, v24;
	v34 =	vsel vm12, v19, v28;
	v35 =	vsel vm0, v26, v28  }
0x87: {  	v24 =	vsel vm8, v18, v23;
	v36 =	vsel vm0, v22, v23;
	v27 =	vmul.f32 v27, v2  }
0x88: {  	vm1 =	vgt.f32 v28, v20;
	v15 =	vsel vm9, v28, v15;
	v19 =	vsel vm12, v31, v19  }
0x89: {  	v31 =	vsel vm1, v32, v20;
	v24 =	vsel vm1, v24, v21;
	v27 =	vsel vm2, $0xC0400000, v27  }
0x8a: {  	v32 =	vsel vm7, v9, v28;
	v20 =	vsel vm1, v20, v28;
	vm2 =	vlt.u32 v12, v3  }
0x8b: {  	vm9 =	vgt.f32 v28, v25;
	v20 =	vsel vm0, v20, v26;
	vm3 =	vgt.f32 v27, v15  }
0x8c: {  	v21 =	vsel vm1, v21, v23;
	v26 =	vsel vm9, v36, v10;
	v36 =	vsel vm3, v27, v15  }
0x8d: {  	v11 =	vsel vm8, v32, v11;
	v32 =	vsel vm9, v35, v25;
	v10 =	vsel vm9, v10, v23  }
0x8e: {  	vm1 =	vgt.f32 v28, v33;
	v25 =	vsel vm9, v25, v28;
	vm9 =	vgt.f32 v27, v11  }
0x8f: {  	v28 =	vsel vm12, v6, v16;
	v6 =	vsel vm7, v34, v9;
	v9 =	vsel vm1, v25, v33  }
0x90: {  	vm13 =	vgt.f32 v27, v19;
	vm10 =	vgt.f32 v27, v6;
	vm15 =	vgt.f32 v27, v9  }
0x91: {  	v21 =	vsel vm0, v21, v22;
	vm11 =	vgt.f32 v27, v32;
	v22 =	vsel vm10, v6, v27  }
0x92: {  	vm0 =	vgt.f32 v27, v31;
	vm14 =	vgt.f32 v27, v20;
	v25 =	vsel vm3, v14, v30  }
0x93: {  	v33 =	vsel vm3, v15, v27;
	v30 =	vsel vm3, v30, v14;
	v15 =	vsel vm2, $0xC0400000, v29  }
0x94: {  	v29 =	vsel vm13, v19, v27;
	v34 =	vsel vm0, v31, v27;
	v35 =	vsel vm0, v24, v14  }
0x95: {  	v16 =	vsel vm12, v16, v23;
	v37 =	vsel vm9, v11, v27;
	v29 =	vsel vm10, v29, v6  }
0x96: {  	v6 =	vsel vm7, v7, v23;
	v33 =	vsel vm13, v33, v19;
	v35 =	vsel vm14, v35, v21  }
0x97: {  	vm2 =	vgt.f32 v17, v36;
	v38 =	vsel vm8, v6, v18;
	vm8 =	vgt.f32 v17, v33  }
0x98: {  	v7 =	vsel vm7, v16, v7;
	v6 =	vsel vm11, v32, v27;
	v18 =	vsel vm2, v13, v25  }
0x99: {  	v19 =	vsel vm13, v30, v28;
	v30 =	vsel vm15, v6, v9;
	v6 =	vsel vm2, v25, v13  }
0x9a: {  	v16 =	vsel vm2, v17, v36;
	v9 =	vsel vm9, v22, v11;
	v22 =	vsel vm8, v6, v19  }
0x9b: {  	vm7 =	vgt.f32 v15, v16;
	v6 =	vsel vm1, v10, v8;
	v8 =	vsel vm11, v26, v14  }
0x9c: {  	v10 =	vsel vm9, v38, v14;
	v8 =	vsel vm15, v8, v6;
	v6 =	vsel vm7, v12, v18  }
0x9d: {  	v11 =	vsel vm0, v37, v31;
	v23 =	vsel vm7, v18, v12;
	v10 =	vsel vm0, v10, v24  }
0x9e: {  	vm15 =	vgt.f32 v17, v29;
	v18 =	vsel vm8, v19, v13;
	v19 =	vsel vm7, v16, v15  }
0x9f: {  	v25 =	vsel vm2, v36, v17;
	v24 =	vsel vm13, v28, v14;
	vm13 =	vgt.f32 v17, v11  }
0xa0: {  	v28 =	vsel vm14, v34, v20;
	v31 =	vsel vm13, v11, v17;
	v34 =	vsel vm13, v10, v13  }
0xa1: {  	v27 =	vsel vm14, v20, v27;
	vm1 =	vgt.f32 v17, v30;
	vm0 =	vgt.f32 v17, v9  }
0xa2: {  	v20 =	vsel vm14, v21, v14;
	v21 =	vsel vm15, v29, v17;
	v36 =	vsel vm0, v9, v17  }
0xa3: {  	v37 =	vsel vm10, v24, v7;
	v39 =	vsel vm11, v20, v26;
	v24 =	vsel vm8, v33, v17  }
0xa4: {  	v20 =	vsel vm8, v25, v33;
	v29 =	vsel vm15, v24, v29;
	v18 =	vsel vm15, v18, v37  }
0xa5: {  	v33 =	vsel vm0, v21, v9;
	v21 =	vsel vm13, v36, v11;
	vm8 =	vgt.f32 v15, v20  }
0xa6: {  	v11 =	vsel vm10, v7, v14;
	v14 =	vsel vm11, v27, v32;
	v7 =	vsel vm8, v20, v15  }
0xa7: {  	vm3 =	vgt.f32 v17, v28;
	vm14 =	vgt.f32 v17, v14;
	vm2 =	vgt.f32 v15, v29  }
0xa8: {  	v24 =	vsel vm3, v34, v35;
	v25 =	vsel vm3, v28, v17;
	v9 =	vsel vm2, v7, v29  }
0xa9: {  	v26 =	vsel vm3, v31, v28;
	vm10 =	vgt.f32 v15, v21;
	v7 =	vsel vm8, v22, v12  }
0xaa: {  	vm12 =	vgt.f32 v15, v33;
	v28 =	vsel vm14, v25, v14;
	v7 =	vsel vm2, v7, v18  }
0xab: {  	vm11 =	vgt.f32 v15, v26;
	v25 =	vsel vm3, v35, v13;
	v18 =	vsel vm2, v18, v12  }
0xac: {  	v11 =	vsel vm9, v11, v38;
	v31 =	vsel vm14, v25, v39;
	v25 =	vsel vm11, v26, v15  }
0xad: {  	v32 =	vsel vm15, v37, v13;
	v14 =	vsel vm14, v14, v17;
	v17 =	vsel vm14, v39, v13  }
.Ltmp2:
0xae: {  	v27 =	vsel vm12, v33, v15;
	v14 =	vsel vm1, v14, v30;
	vm9 =	vgt.f32 v15, v28;
	(pc) =	sbr.rel @p1 .LBB2_2-.Ltmp2, $4  }
0xaf: {  	v13 =	vsel vm0, v11, v13;
	v8 =	vsel vm1, v17, v8;
	vm1 =	vgt.f32 v15, v14  }
0xb0: {  	v17 =	vsel vm0, v32, v11;
	v11 =	vsel vm2, v29, v15;
	v30 =	vsel vm11, v24, v12  }
0xb1: {  	v29 =	vsel vm13, v13, v10;
	v10 =	vsel vm9, v30, v31;
	v30 =	vsel vm9, v31, v12  }
0xb2: {  	s30 =	smov.u32 s29;
	s28 =	sadd.s32 $0x40, s28;
	v11 =	vsel vm12, v11, v33;
	v13 =	vsel vm9, v28, v15;
	v8 =	vsel vm1, v30, v8  }
0xb3: {  	v13 =	vsel vm1, v13, v14;
	v14 =	vsel vm12, v17, v12  }
0xb4: {  	v30 =	vsel vm10, v21, v15;
	v31 =	vsel vm10, v29, v12;
	v12 =	vsel vm12, v18, v17  }
0xb5: {  	v17 =	vsel vm9, v25, v28;
	v20 =	vsel vm8, v19, v20;
	v19 =	vsel vm10, v27, v21  }
0xb6: {  	v21 =	vsel vm7, v15, v16;
	s28 =	simm.f32 $2.000000000e+00;
	v16 =	vsel vm8, v23, v22;
	v18 =	vsel vm11, v30, v26  }
0xb7: {  	s0 =	simm.s32 $0xFFFFFFFF;
	v14 =	vsel vm10, v14, v29;
	v15 =	vsel vm11, v31, v24;
	vm0 =	veq.f32 v20, s28  }
0xb8: {  	vm1 =	vlt.f32 v11, s28;
	vm2 =	veq.f32 v21, s28;
	vm3 =	vgt.s32 v6, s0  }
0xb9: {  	vm7 =	vlt.f32 v20, s28;
	vm14 =	vlt.f32 v21, s28;
	vm15 =	veq.f32 v9, s28  }
0xba: {  	vm12 =	vgt.s32 v16, s0;
	vm13 =	vgt.s32 v7, s0;
	vm8 =	veq.f32 v17, s28  }
0xbb: {  	vm5 =	veq.f32 v13, s28;
	vm2 =	vmand vm2, vm3;
	vm0 =	vmand vm0, vm12  }
0xbc: {  	vm12 =	vgt.s32 v12, s0;
	vm10 =	veq.f32 v18, s28;
	vm11 =	vgt.s32 v15, s0  }
0xbd: {  	vm2 =	vmor vm14, vm2;
	vm14 =	vlt.f32 v9, s28;
	vm0 =	vmor vm7, vm0  }
0xbe: {  	v22 =	vnsel vm2, $0xC0000000, v21;
	vm2 =	vmand vm15, vm13;
	vm15 =	veq.f32 v11, s28  }
0xbf: {  	vm13 =	veq.f32 v19, s28;
	v23 =	vnsel vm0, $0xC0000000, v20;
	vm0 =	vmand vm10, vm11  }
0xc0: {  	vm11 =	vgt.s32 v10, s0;
	vm3 =	vmand vm15, vm12;
	vm15 =	vgt.f32 v22, $-2.000000000e+00  }
0xc1: {  	vm2 =	vmor vm14, vm2;
	vm14 =	vgt.s32 v14, s0;
	v22 =	vnsel vm15, $0xC0000000, v22  }
0xc2: {  	vm12 =	vlt.f32 v19, s28;
	vm1 =	vmor vm1, vm3;
	vm9 =	vgt.f32 v23, v22  }
0xc3: {  	vm3 =	vlt.f32 v17, s28;
	v25 =	vnsel vm2, $0xC0000000, v9;
	v22 =	vsel vm9, v23, v22  }
0xc4: {  	vm7 =	vmand vm13, vm14;
	v24 =	vnsel vm15, $0x40000000, v6;
	vm13 =	vgt.f32 v25, v22  }
0xc5: {  	v23 =	vsel vm9, v16, v24;
	v24 =	vnsel vm1, $0xC0000000, v11;
	v22 =	vsel vm13, v25, v22  }
0xc6: {  	vm14 =	vlt.f32 v18, s28;
	vm1 =	vmor vm12, vm7;
	vm15 =	vgt.f32 v24, v22  }
0xc7: {  	vm0 =	vmor vm14, vm0;
	v22 =	vsel vm15, v24, v22;
	v24 =	vnsel vm1, $0xC0000000, v19  }
0xc8: {  	vm14 =	vlt.f32 v13, s28;
	vm12 =	vgt.s32 v8, s0;
	vm1 =	vgt.f32 v24, v22  }
0xc9: {  	v25 =	vnsel vm0, $0xC0000000, v18;
	vm0 =	vmand vm8, vm11;
	v22 =	vsel vm1, v24, v22  }
0xca: {  	v23 =	vsel vm13, v7, v23;
	vm0 =	vmor vm3, vm0;
	vm13 =	vgt.f32 v25, v22  }
0xcb: {  	vm2 =	vmand vm5, vm12;
	v24 =	vnsel vm0, $0xC0000000, v17;
	v22 =	vsel vm13, v25, v22  }
0xcc: {  	v23 =	vsel vm15, v12, v23;
	vm0 =	vmor vm14, vm2;
	vm15 =	vgt.f32 v24, v22  }
0xcd: {  	v23 =	vsel vm1, v14, v23;
	v25 =	vnsel vm0, $0xC0000000, v13;
	v22 =	vsel vm15, v24, v22  }
0xce: {  	v23 =	vsel vm13, v15, v23;
	vm0 =	vgt.f32 v25, v22  }
0xcf: {  	v24 =	vsel vm15, v10, v23;
	v23 =	vsel vm0, v25, v22  }
0xd0: {  	s29 =	simm.s32 $0x0;
	s30 =	simm.s32 $0x2;
	s28 =	simm.s32 $0x1;
	v24 =	vsel vm0, v8, v24;
	v22 =	vimm.s32 $0x0;
	(xrf0) =	vmax.scan.msk.f32 $0xffff, v23  }
.LBB2_4:
0xd1: {  	_ =	sdelay $0x4  }
0xd2: {  	v25, _, _ =	vpop (xrf0)  }
0xd3: {  	v26 =	vbroadcast v25, $0xF;
	_ =	sdelay $0x1  }
0xd4: {  	(v2sf) =	vpush v25, $0xF;
	vm0 =	veq.f32 v23, v26;
	v23 =	vxor.u32 $0x80000000, v24  }
0xd5: {  	v23 =	vnsel vm0, $0xC0000000, v23  }
0xd6: {  	(xrf0) =	vmin.scan.msk.u32 $0xffff, v23;
	_ =	sdelay $0x5  }
0xd7: {  	v23, _, _ =	vpop (xrf0)  }
0xd8: {  	(v2sf) =	vpush v23, $0xF;
	_ =	sdelay $0x5  }
0xd9: {  	s31 =	spop (v2sf)  }
0xda: {  	v23 =	vimm.s32 $0x0;
	vm6 =	vlt.f32 v17, s31  }
0xdb: {  	v27 =	vmov s29;
	v23 =	vsel vm6, $0xFFFFFFFF, v23  }
0xdc: {  	vm11 =	veq.s32 v27, v0;
	vm7 =	veq.f32 v17, s31;
	[tilespmem:$0x1FFE0] =	vst v23;
	v23 =	vimm.s32 $0x0  }
0xdd: {  	vm14 =	veq.f32 v20, s31;
	vm8 =	vlt.f32 v13, s31;
	v23 =	vsel vm7, $0xFFFFFFFF, v23  }
0xde: {  	vm9 =	vlt.f32 v19, s31;
	vm12 =	vlt.f32 v18, s31;
	[tilespmem:$0x1FFD0] =	vst v23;
	v23 =	vimm.s32 $0x0  }
0xdf: {  	vm10 =	veq.f32 v13, s31;
	vm15 =	vlt.f32 v11, s31;
	v23 =	vsel vm8, $0xFFFFFFFF, v23  }
0xe0: {  	vm5 =	vlt.f32 v20, s31;
	vm13 =	veq.f32 v21, s31;
	[tilespmem:$0x1FFF0] =	vst v23;
	v23 =	vimm.s32 $0x0  }
0xe1: {  	vm2 =	veq.f32 v9, s31;
	vm6 =	vlt.f32 v21, s31;
	v23 =	vsel vm9, $0xFFFFFFFF, v23  }
0xe2: {  	vm7 =	vlt.f32 v9, s31;
	vm8 =	veq.f32 v11, s31;
	[tilespmem:$0x1FFB0] =	vst v23;
	v23 =	vimm.s32 $0x0;
	s1 =	spop (v2sf)  }
0xe3: {  	vm9 =	veq.f32 v19, s31;
	v23 =	vsel vm10, $0xFFFFFFFF, v23;
	vm10 =	veq.f32 v18, s31;
	s31 =	sxor.u32 $0x80000000, s1  }
0xe4: {  	v5 =	vsel vm11, v26, v5;
	v26 =	vld [tilespmem:$0x1FFB0];
	vm0 =	vgt.s32 v6, s31  }
0xe5: {  	vm3 =	vgt.s32 v12, s31;
	vm1 =	vgt.s32 v7, s31;
	vm0 =	vmand vm13, vm0  }
0xe6: {  	vm1 =	vmand vm2, vm1;
	vm0 =	vmor vm6, vm0;
	vm6 =	vgt.s32 v16, s31  }
0xe7: {  	v22 =	vsel vm11, s31, v22;
	vm1 =	vmor vm7, vm1;
	vm11 =	vmand vm14, vm6  }
0xe8: {  	[tilespmem:$0x1FFC0] =	vst v23;
	vm7 =	vmand vm8, vm3;
	v23 =	vnsel vm0, $0xC0000000, v21;
	vm0 =	vmor vm5, vm11  }
0xe9: {  	v24 =	vnsel vm0, $0xC0000000, v20;
	vm0 =	vmor vm15, vm7;
	vm7 =	vnez.u8 v26;
	v26 =	vld [tilespmem:$0x1FFC0];
	_ =	sdelay $0x2  }
0xea: {  	vm14 =	vgt.f32 v23, $-2.000000000e+00  }
0xeb: {  	vm11 =	vgt.s32 v15, s31;
	v23 =	vnsel vm14, $0xC0000000, v23  }
0xec: {  	v25 =	vnsel vm14, $0x40000000, v6;
	vm14 =	vmand vm10, vm11;
	vm10 =	vnez.u8 v26;
	v26 =	vld [tilespmem:$0x1FFD0];
	_ =	sdelay $0x4  }
0xed: {  	vm11 =	vnez.u8 v26;
	v26 =	vld [tilespmem:$0x1FFE0]  }
0xee: {  	vm8 =	vgt.f32 v24, v23  }
0xef: {  	vm4 =	vgt.s32 v14, s31;
	v23 =	vsel vm8, v24, v23;
	v24 =	vnsel vm1, $0xC0000000, v9  }
0xf0: {  	vm13 =	vgt.s32 v8, s31;
	vm4 =	vmand vm9, vm4;
	vm1 =	vgt.f32 v24, v23  }
0xf1: {  	vm3 =	vmor vm7, vm4;
	v23 =	vsel vm1, v24, v23;
	v24 =	vnsel vm0, $0xC0000000, v11  }
0xf2: {  	vm15 =	vgt.f32 v24, v23;
	vm4 =	vmand vm10, vm13;
	vm13 =	vnez.u8 v26;
	v26 =	vld [tilespmem:$0x1FFF0]  }
0xf3: {  	vm9 =	vgt.s32 v10, s31;
	v23 =	vsel vm15, v24, v23;
	v24 =	vnsel vm3, $0xC0000000, v19  }
0xf4: {  	v25 =	vsel vm8, v16, v25;
	vm0 =	vmor vm12, vm14;
	vm8 =	vgt.f32 v24, v23  }
0xf5: {  	v23 =	vsel vm8, v24, v23;
	v24 =	vnsel vm0, $0xC0000000, v18;
	vm0 =	vmand vm11, vm9  }
0xf6: {  	v25 =	vsel vm1, v7, v25;
	vm12 =	vgt.f32 v24, v23;
	vm0 =	vmor vm13, vm0  }
0xf7: {  	p1 =	sne.s32 s30, $0x7;
	v23 =	vsel vm12, v24, v23;
	v24 =	vnsel vm0, $0xC0000000, v17;
	vm14 =	vnez.u8 v26  }
.Ltmp3:
0xf8: {  	v25 =	vsel vm15, v12, v25;
	vm0 =	vgt.f32 v24, v23;
	vm4 =	vmor vm14, vm4;
	(pc) =	sbr.rel @p1 .LBB2_4-.Ltmp3, $4  }
0xf9: {  	v25 =	vsel vm8, v14, v25;
	v23 =	vsel vm0, v24, v23;
	v24 =	vnsel vm4, $0xC0000000, v13  }
0xfa: {  	v25 =	vsel vm12, v15, v25;
	vm15 =	vgt.f32 v24, v23  }
0xfb: {  	s0 =	smov.u32 s30;
	v25 =	vsel vm0, v10, v25;
	v23 =	vsel vm15, v24, v23  }
0xfc: {  	s30 =	sadd.s32 $0x1, s30;
	s29 =	smov.u32 s28;
	s28 =	smov.u32 s0;
	v24 =	vsel vm15, v8, v25;
	(xrf0) =	vmax.scan.msk.f32 $0xffff, v23  }
0xfd: {  	_ =	sdelay $0x4  }
0xfe: {  	v25, _, _ =	vpop (xrf0)  }
0xff: {  	v26 =	vbroadcast v25, $0xF;
	_ =	sdelay $0x1  }
0x100: {  	v54 =	vxor.u32 $0x80000000, v24;
	vm0 =	veq.f32 v23, v26  }
0x101: {  	v23 =	vnsel vm0, $0xC0000000, v54  }
0x102: {  	(xrf0) =	vmin.scan.msk.u32 $0xffff, v23;
	_ =	sdelay $0x3  }
0x103: {  	(v2sf) =	vpush v25, $0xF;
	_ =	sdelay $0x1  }
0x104: {  	v23, _, _ =	vpop (xrf0)  }
0x105: {  	(v2sf) =	vpush v23, $0xF;
	_ =	sdelay $0xb  }
0x106: {  	s0 =	spop (v2sf)  }
0x107: {  	vm3 =	veq.f32 v20, s0  }
0x108: {  	vm0 =	vlt.f32 v17, s0;
	vm1 =	veq.f32 v17, s0;
	vm2 =	vlt.f32 v19, s0  }
0x109: {  	vm4 =	vlt.f32 v11, s0;
	vm5 =	veq.f32 v21, s0;
	vm9 =	veq.f32 v19, s0;
	s1 =	spop (v2sf)  }
0x10a: {  	vm7 =	vlt.f32 v21, s0;
	vm11 =	veq.f32 v9, s0;
	vm14 =	vlt.f32 v20, s0;
	s30 =	sxor.u32 $0x80000000, s1  }
0x10b: {  	vm15 =	vlt.f32 v9, s0;
	vm8 =	veq.f32 v11, s0;
	vm6 =	vgt.s32 v6, s30  }
0x10c: {  	vm12 =	vgt.s32 v16, s30;
	vm13 =	vgt.s32 v7, s30;
	vm5 =	vmand vm5, vm6  }
0x10d: {  	vm3 =	vmand vm3, vm12;
	vm6 =	vgt.s32 v8, s30;
	vm5 =	vmor vm7, vm5  }
0x10e: {  	vm3 =	vmor vm14, vm3;
	v55 =	vnsel vm5, $0xC0000000, v21;
	vm5 =	vmand vm11, vm13  }
0x10f: {  	vm11 =	vgt.s32 v12, s30;
	v56 =	vnsel vm3, $0xC0000000, v20;
	vm7 =	vgt.f32 v55, $-2.000000000e+00  }
0x110: {  	vm13 =	vgt.s32 v14, s30;
	vm5 =	vmor vm15, vm5;
	v21 =	vnsel vm7, $0xC0000000, v55  }
0x111: {  	vm12 =	vmand vm8, vm11;
	vm14 =	vmand vm9, vm13;
	vm8 =	vgt.f32 v56, v21  }
0x112: {  	vm15 =	veq.f32 v18, s0;
	v57 =	vnsel vm5, $0xC0000000, v9;
	v20 =	vsel vm8, v56, v21  }
0x113: {  	vm11 =	vgt.s32 v15, s30;
	vm3 =	vmor vm4, vm12;
	vm9 =	vgt.f32 v57, v20  }
0x114: {  	vm12 =	vlt.f32 v18, s0;
	v58 =	vnsel vm3, $0xC0000000, v11;
	v9 =	vsel vm9, v57, v20  }
0x115: {  	vm2 =	vmor vm2, vm14;
	vm14 =	veq.f32 v13, s0;
	vm13 =	vgt.f32 v58, v9  }
0x116: {  	vm3 =	vmand vm15, vm11;
	v59 =	vnsel vm2, $0xC0000000, v19;
	v9 =	vsel vm13, v58, v9  }
0x117: {  	vm15 =	vgt.s32 v10, s30;
	vm3 =	vmor vm12, vm3;
	vm2 =	vgt.f32 v59, v9  }
0x118: {  	vm1 =	vmand vm1, vm15;
	v60 =	vnsel vm3, $0xC0000000, v18;
	v9 =	vsel vm2, v59, v9  }
0x119: {  	vm11 =	vlt.f32 v13, s0;
	vm0 =	vmor vm0, vm1;
	vm10 =	vgt.f32 v60, v9  }
0x11a: {  	vm3 =	vmand vm14, vm6;
	v61 =	vnsel vm0, $0xC0000000, v17;
	v9 =	vsel vm10, v60, v9  }
0x11b: {  	vm0 =	vmor vm11, vm3;
	vm12 =	vgt.f32 v61, v9  }
0x11c: {  	v62 =	vnsel vm0, $0xC0000000, v13;
	v9 =	vsel vm12, v61, v9  }
0x11d: {  	vm0 =	vgt.f32 v62, v9  }
0x11e: {  	v9 =	vsel vm0, v62, v9  }
0x11f: {  	(xrf0) =	vmax.scan.msk.f32 $0xffff, v9  }
0x120: {  	v6 =	vnsel vm7, $0x40000000, v6  }
0x121: {  	v6 =	vsel vm8, v16, v6  }
0x122: {  	v6 =	vsel vm9, v7, v6  }
0x123: {  	v6 =	vsel vm13, v12, v6  }
0x124: {  	v6 =	vsel vm2, v14, v6  }
0x125: {  	v6 =	vsel vm10, v15, v6;
	v7, _, _ =	vpop (xrf0)  }
0x126: {  	v6 =	vsel vm12, v10, v6;
	v63 =	vbroadcast v7, $0xF  }
0x127: {  	v6 =	vsel vm0, v8, v6  }
0x128: {  	v6 =	vxor.u32 $0x80000000, v6;
	vm13 =	veq.f32 v9, v63  }
0x129: {  	v6 =	vnsel vm13, $0xC0000000, v6  }
0x12a: {  	(xrf0) =	vmin.scan.msk.u32 $0xffff, v6;
	_ =	sdelay $0x5  }
0x12b: {  	(v2sf) =	vpush v7, $0xF;
	v6, _, _ =	vpop (xrf0)  }
0x12c: {  	(v2sf) =	vpush v6, $0xF;
	_ =	sdelay $0xc  }
0x12d: {  	v6 =	vmov s29  }
0x12e: {  	vm14 =	veq.s32 v6, v0;
	v6 =	vmov s28;
	s31 =	spop (v2sf)  }
0x12f: {  	v5 =	vsel vm14, v26, v5;
	vm15 =	veq.s32 v6, v0;
	s0 =	spop (v2sf)  }
0x130: {  	v6 =	vsel vm14, s30, v22;
	v5 =	vsel vm15, v63, v5;
	s0 =	sxor.u32 $0x80000000, s0  }
0x131: {  	[tilespmem:$0x500] =	vst v5;
	v6 =	vsel vm15, s0, v6  }
0x132: {  	[tilespmem:$0x510] =	vst v6  }
0x133: {  	[spmem:s8] =	stream.linear.scatter [tilespmem:s14], [sflag:$0x3], $0x10, $0x38;
	[tilespmem:$0x2B88] =	vst v63  }
0x134: {  	_ =	swait.ge [sflag:s15], $0x10  }
0x135: {  	[sflag:s15] =	ssyncset.done $0x0  }
0x136: {  	[sflag:s15] =	ssyncadd.s32 $0xFFFFFFF0  }
0x137: {  	[spmem:s9] =	stream.linear.scatter [tilespmem:s16], [sflag:$0x3], $0x10, $0x38;
	[tilespmem:$0x2B88] =	vst v63  }
.Ltmp4:
0x138: {  	_ =	swait.ge [sflag:s15], $0x10;
	(pc) =	sbr.rel @p0 .LBB2_13-.Ltmp4, $3  }
0x139: {  	[sflag:s15] =	ssyncset.done $0x0  }
0x13a: {  	[sflag:s15] =	ssyncadd.s32 $0xFFFFFFF0  }
0x13b: {  	[bflag:$0x0] =	sbarrier.arrive $0xFFFF;
	_ =	sdelay $0x1  }
0x13c: {  	[tilespmem:s17], [sflag:$0x3] =	stream.linear.gather [spmem:s2], $0x100, $0x38;
	[tilespmem:$0x2B88] =	vst v63  }
0x13d: {  	_ =	swait.ge [sflag:s15], $0x100  }
0x13e: {  	[sflag:s15] =	ssyncset.done $0x0  }
0x13f: {  	[sflag:s15] =	ssyncadd.s32 $0xFFFFFF00  }
0x140: {  	[tilespmem:s18], [sflag:$0x3] =	stream.linear.gather [spmem:s3], $0x100, $0x38;
	[tilespmem:$0x2B88] =	vst v63  }
0x141: {  	_ =	swait.ge [sflag:s15], $0x100  }
0x142: {  	[sflag:s15] =	ssyncset.done $0x0  }
0x143: {  	s0 =	simm.s32 $0x0;
	[sflag:s15] =	ssyncadd.s32 $0xFFFFFF00  }
0x144: {  	v12 =	vimm.f32 $-2.000000000e+00;
	v9 =	vimm.s32 $0x40000000;
	v13 =	vld [tilespmem:s0+$0x540]  }
0x145: {  	v16 =	vimm.s32 $0x40000000;
	v15 =	vimm.f32 $-2.000000000e+00;
	v14 =	vimm.f32 $-2.000000000e+00  }
0x146: {  	v18 =	vimm.f32 $-2.000000000e+00;
	v28 =	vimm.s32 $0x40000000;
	v27 =	vimm.f32 $-2.000000000e+00;
	v11 =	vld [tilespmem:s0+$0x640]  }
0x147: {  	v23 =	vimm.s32 $0x40000000;
	v20 =	vimm.s32 $0x40000000;
	v17 =	vimm.f32 $-2.000000000e+00  }
0x148: {  	v22 =	vimm.s32 $0x40000000;
	v25 =	vimm.s32 $0x40000000;
	v26 =	vimm.s32 $0x40000000  }
0x149: {  	v24 =	vimm.f32 $-2.000000000e+00;
	vm7 =	vgt.f32 v13, v12;
	vm10 =	vgt.f32 v13, v12  }
0x14a: {  	v7 =	vsel vm7, v13, v12;
	v8 =	vsel vm7, v12, v13;
	v19 =	vsel vm7, v12, v13  }
0x14b: {  	v10 =	vsel vm7, v9, v11;
	v21 =	vsel vm7, v12, v13;
	v6 =	vsel vm7, v11, v9  }
0x14c: {  	v31 =	vsel vm10, v12, v13;
	v30 =	vsel vm10, v9, v11;
	v29 =	vsel vm7, v9, v11  }
0x14d: {  	v32 =	vsel vm10, v9, v11;
	v33 =	vsel vm10, v12, v13;
	vm8 =	vmmov vm10  }
0x14e: {  	vm12 =	vmmov vm10;
	vm0 =	vmmov vm7;
	vm11 =	vmmov vm7  }
0x14f: {  	s28 =	simm.s32 $0x0;
	s29 =	simm.s32 $0x40;
	vm9 =	vmmov vm10;
	v5 =	vsel vm10, v30, v9;
	v8 =	vsel vm7, v8, v12  }
.LBB2_7:
0x150: {  	s0 =	sshra.s32 s29, $0x2;
	p1 =	sne.s32 s29, $0x3C0;
	s29 =	sadd.s32 $0x40, s29;
	v9 =	vsel vm10, v10, v9;
	v16 =	vsel vm8, v32, v16;
	v12 =	vsel vm7, v33, v12;
	v10 =	vmovc v7  }
0x151: {  	vm1 =	vgt.f32 v13, v15;
	v14 =	vsel vm10, v19, v14;
	v18 =	vsel vm12, v31, v18;
	v33 =	vmovc v5;
	v32 =	vld [tilespmem:s0+$0x540]  }
0x152: {  	v19 =	vsel vm0, v28, v11;
	v31 =	vsel vm12, v27, v13;
	v34 =	vsel vm8, v23, v11;
	v23 =	vmovc v16  }
0x153: {  	v13 =	vsel vm9, v17, v13;
	v20 =	vsel vm11, v19, v20;
	v22 =	vsel vm1, v30, v22;
	v27 =	vmovc v18;
	v11 =	vld [tilespmem:s0+$0x640]  }
0x154: {  	v26 =	vsel vm9, v29, v26;
	v28 =	vmovc v6;
	v25 =	vsel vm7, v34, v25;
	v15 =	vsel vm1, v13, v15  }
0x155: {  	v17 =	vsel vm9, v21, v17;
	v24 =	vsel vm8, v31, v24  }
0x156: {  	vm0 =	vgt.f32 v32, v7;
	vm11 =	vgt.f32 v32, v8;
	vm7 =	vgt.f32 v32, v12;
	v13 =	vmovc v32  }
0x157: {  	vm12 =	vgt.f32 v13, v18;
	vm8 =	vgt.f32 v13, v24;
	v7 =	vsel vm0, v13, v7  }
.Ltmp5:
0x158: {  	vm10 =	vgt.f32 v13, v14;
	vm9 =	vgt.f32 v13, v17;
	v32 =	vsel vm0, v10, v13;
	(pc) =	sbr.rel @p1 .LBB2_7-.Ltmp5, $4  }
0x159: {  	v19 =	vsel vm11, v8, v13;
	v21 =	vsel vm7, v12, v13;
	v10 =	vsel vm11, v20, v11  }
0x15a: {  	v6 =	vsel vm0, v11, v6;
	v31 =	vsel vm10, v14, v13;
	v29 =	vsel vm10, v9, v11  }
0x15b: {  	v30 =	vsel vm9, v26, v11;
	v5 =	vsel vm12, v29, v5;
	v29 =	vsel vm7, v25, v11  }
0x15c: {  	v8 =	vsel vm11, v32, v8;
	v32 =	vsel vm12, v33, v11;
	v33 =	vsel vm8, v24, v13  }
0x15d: {  	v10 =	vsel vm10, v10, v9;
	v9 =	vsel vm8, v32, v16;
	v16 =	vsel vm7, v33, v12  }
0x15e: {  	vm1 =	vgt.f32 v13, v15;
	v19 =	vsel vm10, v19, v14;
	v18 =	vsel vm12, v31, v18  }
0x15f: {  	v12 =	vsel vm0, v28, v11;
	v27 =	vsel vm12, v27, v13;
	v23 =	vsel vm8, v23, v11  }
0x160: {  	v14 =	vsel vm11, v12, v20;
	v20 =	vsel vm9, v17, v13;
	v11 =	vsel vm1, v30, v22  }
0x161: {  	s0 =	simm.f32 $2.000000000e+00;
	v13 =	vsel vm7, v23, v25;
	v12 =	vsel vm9, v29, v26;
	v17 =	vsel vm9, v21, v17  }
0x162: {  	s1 =	simm.s32 $0xFFFFFFFF;
	vm15 =	vlt.f32 v8, s0;
	vm2 =	vlt.f32 v7, s0;
	vm3 =	veq.f32 v7, s0  }
0x163: {  	vm5 =	vlt.f32 v19, s0;
	vm6 =	vgt.s32 v6, s1;
	vm9 =	veq.f32 v8, s0  }
0x164: {  	vm11 =	vlt.f32 v18, s0;
	vm12 =	veq.f32 v19, s0;
	vm13 =	vgt.s32 v10, s1  }
0x165: {  	v15 =	vsel vm1, v20, v15;
	v20 =	vsel vm8, v27, v24;
	vm0 =	vlt.f32 v17, s0  }
0x166: {  	vm3 =	vmand vm3, vm6;
	vm10 =	vgt.s32 v14, s1;
	vm8 =	vgt.s32 v5, s1  }
0x167: {  	vm4 =	vlt.f32 v20, s0;
	vm6 =	vmand vm9, vm10;
	vm2 =	vmor vm2, vm3  }
0x168: {  	vm14 =	veq.f32 v20, s0;
	vm3 =	vmand vm12, vm13;
	vm9 =	vgt.s32 v9, s1  }
0x169: {  	vm10 =	veq.f32 v16, s0;
	vm1 =	vmor vm15, vm6;
	v21 =	vnsel vm2, $0xC0000000, v7  }
0x16a: {  	vm12 =	vgt.s32 v13, s1;
	v22 =	vnsel vm1, $0xC0000000, v8;
	vm1 =	vgt.f32 v21, $-2.000000000e+00  }
0x16b: {  	vm13 =	vlt.f32 v16, s0;
	vm15 =	veq.f32 v18, s0;
	v21 =	vnsel vm1, $0xC0000000, v21  }
0x16c: {  	vm3 =	vmor vm5, vm3;
	vm5 =	vmand vm14, vm9;
	vm2 =	vgt.f32 v22, v21  }
0x16d: {  	vm6 =	vmand vm15, vm8;
	v23 =	vnsel vm3, $0xC0000000, v19;
	v21 =	vsel vm2, v22, v21  }
0x16e: {  	vm6 =	vmor vm11, vm6;
	vm11 =	vmor vm4, vm5;
	vm5 =	vgt.f32 v23, v21  }
0x16f: {  	vm14 =	veq.f32 v17, s0;
	v22 =	vnsel vm6, $0xC0000000, v18;
	v21 =	vsel vm5, v23, v21  }
0x170: {  	vm8 =	vgt.s32 v12, s1;
	vm4 =	vmand vm10, vm12;
	vm15 =	vgt.f32 v22, v21  }
0x171: {  	vm3 =	vmand vm14, vm8;
	v23 =	vnsel vm11, $0xC0000000, v20;
	v21 =	vsel vm15, v22, v21  }
0x172: {  	vm10 =	veq.f32 v15, s0;
	vm4 =	vmor vm13, vm4;
	vm9 =	vgt.f32 v23, v21  }
0x173: {  	vm0 =	vmor vm0, vm3;
	v22 =	vnsel vm4, $0xC0000000, v16;
	v21 =	vsel vm9, v23, v21  }
0x174: {  	vm13 =	vlt.f32 v15, s0;
	vm11 =	vgt.s32 v11, s1;
	vm12 =	vgt.f32 v22, v21  }
0x175: {  	vm3 =	vmand vm10, vm11;
	v23 =	vnsel vm0, $0xC0000000, v17;
	v21 =	vsel vm12, v22, v21  }
0x176: {  	vm3 =	vmor vm13, vm3;
	vm14 =	vgt.f32 v23, v21  }
0x177: {  	v22 =	vnsel vm3, $0xC0000000, v15;
	v21 =	vsel vm14, v23, v21  }
0x178: {  	vm3 =	vgt.f32 v22, v21  }
0x179: {  	v21 =	vsel vm3, v22, v21  }
0x17a: {  	(xrf0) =	vmax.scan.msk.f32 $0xffff, v21  }
0x17b: {  	v22 =	vnsel vm1, $0x40000000, v6  }
0x17c: {  	v22 =	vsel vm2, v14, v22  }
0x17d: {  	v22 =	vsel vm5, v10, v22  }
0x17e: {  	v22 =	vsel vm15, v5, v22  }
0x17f: {  	v22 =	vsel vm9, v9, v22  }
0x180: {  	v22 =	vsel vm12, v13, v22;
	v23, _, _ =	vpop (xrf0)  }
0x181: {  	v22 =	vsel vm14, v12, v22;
	v63 =	vbroadcast v23, $0xF  }
0x182: {  	v22 =	vsel vm3, v11, v22  }
0x183: {  	vm15 =	veq.f32 v21, v63;
	v21 =	vxor.u32 $0x80000000, v22  }
0x184: {  	v22 =	vnsel vm15, $0xC0000000, v21  }
0x185: {  	s29 =	simm.s32 $0x1;
	s30 =	simm.s32 $0x2;
	(v2sf) =	vpush v23, $0xF;
	v21 =	vimm.s32 $0x0;
	(xrf0) =	vmin.scan.msk.u32 $0xffff, v22  }
.LBB2_9:
0x186: {  	_ =	sdelay $0x4  }
0x187: {  	v22, _, _ =	vpop (xrf0)  }
0x188: {  	(v2sf) =	vpush v22, $0xF;
	_ =	sdelay $0xa  }
0x189: {  	v23 =	vimm.s32 $0x0;
	s1 =	spop (v2sf)  }
0x18a: {  	v22 =	vimm.s32 $0x0;
	vm13 =	vlt.f32 v8, s1;
	vm0 =	vlt.f32 v15, s1  }
0x18b: {  	vm10 =	vlt.f32 v17, s1;
	vm11 =	veq.f32 v15, s1;
	vm5 =	vlt.f32 v7, s1  }
0x18c: {  	vm3 =	veq.f32 v7, s1;
	vm12 =	veq.f32 v17, s1;
	v22 =	vsel vm0, $0xFFFFFFFF, v22  }
0x18d: {  	s0 =	smov.u32 s30;
	vm7 =	vlt.f32 v19, s1;
	vm8 =	vlt.f32 v18, s1;
	v23 =	vsel vm10, $0xFFFFFFFF, v23;
	[tilespmem:$0x1FFA0] =	vst v22;
	s31 =	spop (v2sf)  }
0x18e: {  	vm6 =	veq.f32 v8, s1;
	v22 =	vmov s28;
	s28 =	smov.u32 s29;
	s29 =	smov.u32 s0;
	[tilespmem:$0x1FF80] =	vst v23;
	v23 =	vimm.s32 $0x0;
	s0 =	sxor.u32 $0x80000000, s31  }
0x18f: {  	vm15 =	veq.f32 v19, s1;
	v23 =	vsel vm11, $0xFFFFFFFF, v23;
	vm0 =	vgt.s32 v6, s0  }
0x190: {  	vm10 =	veq.s32 v22, v0;
	v22 =	vimm.s32 $0x0;
	vm0 =	vmand vm3, vm0  }
0x191: {  	v22 =	vsel vm12, $0xFFFFFFFF, v22;
	vm1 =	vgt.s32 v14, s0;
	vm5 =	vmor vm5, vm0  }
0x192: {  	[tilespmem:$0x1FF70] =	vst v22;
	vm1 =	vmand vm6, vm1;
	vm3 =	vgt.s32 v10, s0;
	v22 =	vnsel vm5, $0xC0000000, v7  }
0x193: {  	vm1 =	vmor vm13, vm1;
	vm3 =	vmand vm15, vm3;
	vm15 =	vgt.f32 v22, $-2.000000000e+00  }
0x194: {  	vm2 =	veq.f32 v18, s1;
	[tilespmem:$0x1FF90] =	vst v23;
	v23 =	vnsel vm1, $0xC0000000, v8;
	v22 =	vnsel vm15, $0xC0000000, v22  }
0x195: {  	vm13 =	vgt.s32 v5, s0;
	vm7 =	vmor vm7, vm3;
	vm3 =	vgt.f32 v23, v22  }
0x196: {  	vm5 =	vmand vm2, vm13;
	v24 =	vnsel vm7, $0xC0000000, v19;
	v22 =	vsel vm3, v23, v22  }
0x197: {  	vm1 =	vmor vm8, vm5;
	vm13 =	vgt.f32 v24, v22  }
0x198: {  	v23 =	vnsel vm1, $0xC0000000, v18;
	v22 =	vsel vm13, v24, v22  }
0x199: {  	v59 =	vnsel vm15, $0x40000000, v6;
	vm15 =	vgt.f32 v23, v22  }
0x19a: {  	vm14 =	veq.f32 v20, s1;
	vm4 =	vgt.s32 v9, s0;
	v22 =	vsel vm15, v23, v22;
	v23 =	vld [tilespmem:$0x1FF70]  }
0x19b: {  	vm12 =	vlt.f32 v20, s1;
	vm8 =	vmand vm14, vm4  }
0x19c: {  	vm11 =	veq.f32 v16, s1;
	vm2 =	vmor vm12, vm8;
	vm12 =	vgt.s32 v13, s0  }
0x19d: {  	vm9 =	vlt.f32 v16, s1;
	vm14 =	vmand vm11, vm12;
	v25 =	vnsel vm2, $0xC0000000, v20  }
0x19e: {  	vm1 =	vmor vm9, vm14;
	vm8 =	vgt.f32 v25, v22  }
0x19f: {  	v22 =	vsel vm8, v25, v22;
	vm7 =	vnez.u8 v23;
	v23 =	vnsel vm1, $0xC0000000, v16  }
0x1a0: {  	vm11 =	vgt.f32 v23, v22  }
0x1a1: {  	v22 =	vsel vm11, v23, v22;
	v23 =	vld [tilespmem:$0x1FF90];
	_ =	sdelay $0x2  }
0x1a2: {  	v26 =	vld [tilespmem:$0x1FF80];
	_ =	sdelay $0x1  }
0x1a3: {  	vm12 =	vnez.u8 v23;
	v23 =	vld [tilespmem:$0x1FFA0];
	_ =	sdelay $0x1  }
0x1a4: {  	vm0 =	vgt.s32 v12, s0  }
0x1a5: {  	v21 =	vsel vm10, s0, v21;
	vm9 =	vnez.u8 v26;
	vm0 =	vmand vm7, vm0  }
0x1a6: {  	vm10 =	vgt.s32 v11, s0;
	v24 =	vsel vm3, v14, v59;
	vm0 =	vmor vm9, vm0  }
0x1a7: {  	v60 =	vnsel vm0, $0xC0000000, v17;
	vm0 =	vmand vm12, vm10;
	vm14 =	vnez.u8 v23  }
0x1a8: {  	v24 =	vsel vm13, v10, v24;
	vm13 =	vgt.f32 v60, v22;
	vm0 =	vmor vm14, vm0  }
0x1a9: {  	v22 =	vsel vm13, v60, v22;
	v61 =	vnsel vm0, $0xC0000000, v15  }
0x1aa: {  	vm0 =	vgt.f32 v61, v22  }
0x1ab: {  	v22 =	vsel vm0, v61, v22  }
0x1ac: {  	(xrf0) =	vmax.scan.msk.f32 $0xffff, v22;
	_ =	sdelay $0x3  }
0x1ad: {  	v24 =	vsel vm15, v5, v24  }
0x1ae: {  	v24 =	vsel vm8, v9, v24  }
0x1af: {  	p1 =	sne.s32 s30, $0x7;
	v23 =	vsel vm11, v13, v24;
	v62, _, _ =	vpop (xrf0)  }
.Ltmp6:
0x1b0: {  	v23 =	vsel vm13, v12, v23;
	v63 =	vbroadcast v62, $0xF;
	(pc) =	sbr.rel @p1 .LBB2_9-.Ltmp6, $4  }
0x1b1: {  	v23 =	vsel vm0, v11, v23  }
0x1b2: {  	vm15 =	veq.f32 v22, v63;
	v22 =	vxor.u32 $0x80000000, v23  }
0x1b3: {  	v22 =	vnsel vm15, $0xC0000000, v22  }
0x1b4: {  	s30 =	sadd.s32 $0x1, s30;
	(v2sf) =	vpush v62, $0xF;
	(xrf0) =	vmin.scan.msk.u32 $0xffff, v22  }
0x1b5: {  	_ =	sdelay $0x4  }
0x1b6: {  	v22, _, _ =	vpop (xrf0)  }
0x1b7: {  	(v2sf) =	vpush v22, $0xF;
	_ =	sdelay $0xb  }
0x1b8: {  	s0 =	spop (v2sf)  }
0x1b9: {  	vm1 =	vlt.f32 v8, s0  }
0x1ba: {  	vm0 =	vlt.f32 v17, s0;
	vm2 =	vlt.f32 v7, s0;
	vm3 =	veq.f32 v7, s0  }
0x1bb: {  	vm4 =	vlt.f32 v20, s0;
	vm5 =	vlt.f32 v19, s0;
	vm7 =	veq.f32 v8, s0;
	s1 =	spop (v2sf)  }
0x1bc: {  	vm14 =	vlt.f32 v18, s0;
	vm15 =	veq.f32 v19, s0;
	vm10 =	veq.f32 v20, s0;
	s30 =	sxor.u32 $0x80000000, s1  }
0x1bd: {  	vm11 =	veq.f32 v18, s0;
	vm6 =	vgt.s32 v6, s30;
	vm13 =	vgt.s32 v14, s30  }
0x1be: {  	vm9 =	vgt.s32 v10, s30;
	vm12 =	vgt.s32 v5, s30;
	vm3 =	vmand vm3, vm6  }
0x1bf: {  	vm8 =	vgt.s32 v11, s30;
	vm6 =	vmand vm7, vm13;
	vm2 =	vmor vm2, vm3  }
0x1c0: {  	vm13 =	vgt.s32 v9, s30;
	vm1 =	vmor vm1, vm6;
	v7 =	vnsel vm2, $0xC0000000, v7  }
0x1c1: {  	vm3 =	vmand vm15, vm9;
	v8 =	vnsel vm1, $0xC0000000, v8;
	vm1 =	vgt.f32 v7, $-2.000000000e+00  }
0x1c2: {  	vm6 =	vmand vm11, vm12;
	vm9 =	vgt.s32 v13, s30;
	v7 =	vnsel vm1, $0xC0000000, v7  }
0x1c3: {  	vm11 =	veq.f32 v17, s0;
	vm3 =	vmor vm5, vm3;
	vm2 =	vgt.f32 v8, v7  }
0x1c4: {  	vm5 =	vmand vm10, vm13;
	v19 =	vnsel vm3, $0xC0000000, v19;
	v7 =	vsel vm2, v8, v7  }
0x1c5: {  	vm6 =	vmor vm14, vm6;
	vm15 =	vmor vm4, vm5;
	vm5 =	vgt.f32 v19, v7  }
0x1c6: {  	vm14 =	veq.f32 v16, s0;
	v8 =	vnsel vm6, $0xC0000000, v18;
	v7 =	vsel vm5, v19, v7  }
0x1c7: {  	vm10 =	vlt.f32 v16, s0;
	vm13 =	vgt.s32 v12, s30;
	vm12 =	vgt.f32 v8, v7  }
0x1c8: {  	vm4 =	vmand vm14, vm9;
	v18 =	vnsel vm15, $0xC0000000, v20;
	v7 =	vsel vm12, v8, v7  }
0x1c9: {  	vm3 =	vmand vm11, vm13;
	vm4 =	vmor vm10, vm4;
	vm14 =	vgt.f32 v18, v7  }
0x1ca: {  	vm0 =	vmor vm0, vm3;
	v8 =	vnsel vm4, $0xC0000000, v16;
	v7 =	vsel vm14, v18, v7  }
0x1cb: {  	vm10 =	vlt.f32 v15, s0;
	vm15 =	veq.f32 v15, s0;
	vm9 =	vgt.f32 v8, v7  }
0x1cc: {  	vm3 =	vmand vm15, vm8;
	v16 =	vnsel vm0, $0xC0000000, v17;
	v7 =	vsel vm9, v8, v7  }
0x1cd: {  	vm3 =	vmor vm10, vm3;
	vm11 =	vgt.f32 v16, v7  }
0x1ce: {  	v8 =	vnsel vm3, $0xC0000000, v15;
	v7 =	vsel vm11, v16, v7  }
0x1cf: {  	vm3 =	vgt.f32 v8, v7  }
0x1d0: {  	v7 =	vsel vm3, v8, v7  }
0x1d1: {  	(xrf0) =	vmax.scan.msk.f32 $0xffff, v7  }
0x1d2: {  	v6 =	vnsel vm1, $0x40000000, v6  }
0x1d3: {  	v6 =	vsel vm2, v14, v6  }
0x1d4: {  	v6 =	vsel vm5, v10, v6  }
0x1d5: {  	v5 =	vsel vm12, v5, v6  }
0x1d6: {  	v5 =	vsel vm14, v9, v5  }
0x1d7: {  	v5 =	vsel vm9, v13, v5;
	v6, _, _ =	vpop (xrf0)  }
0x1d8: {  	v5 =	vsel vm11, v12, v5;
	v8 =	vbroadcast v6, $0xF  }
0x1d9: {  	v5 =	vsel vm3, v11, v5  }
0x1da: {  	v5 =	vxor.u32 $0x80000000, v5;
	vm12 =	veq.f32 v7, v8  }
0x1db: {  	v5 =	vnsel vm12, $0xC0000000, v5  }
0x1dc: {  	(xrf0) =	vmin.scan.msk.u32 $0xffff, v5;
	_ =	sdelay $0x5  }
0x1dd: {  	(v2sf) =	vpush v6, $0xF;
	v5, _, _ =	vpop (xrf0)  }
0x1de: {  	(v2sf) =	vpush v5, $0xF;
	_ =	sdelay $0xd  }
0x1df: {  	v5 =	vmov s28;
	s1 =	spop (v2sf)  }
0x1e0: {  	vm13 =	veq.s32 v5, v0;
	v5 =	vmov s29;
	s0 =	spop (v2sf)  }
0x1e1: {  	v6 =	vsel vm13, s30, v21;
	vm14 =	veq.s32 v5, v0;
	s0 =	sxor.u32 $0x80000000, s0  }
0x1e2: {  	vm15 =	vmmov $0xff;
	v5 =	vsel vm14, s0, v6  }
0x1e3: {  	v5 =	vnsel vm15, $0x0, v5  }
0x1e4: {  	s29 =	rddreg [dreg:$0x1];
	[tilespmem:$0x740] =	vst v5  }
0x1e5: {  	[tilespmem:s21], [sflag:$0x1] =	stream.indirect.gather [hbm4b:s29+s19], $0x200, s20, s19, $0xb8;
	[tilespmem:$0x2B88] =	vst v63  }
0x1e6: {  	_ =	swait.ge [sflag:s13], $0x2000  }
0x1e7: {  	[sflag:s13] =	ssyncset.done $0x0  }
0x1e8: {  	[sflag:s13] =	ssyncadd.s32 $0xFFFFE000  }
0x1e9: {  	_ =	swait.ge [sflag:s22], $0x408  }
0x1ea: {  	[sflag:s22] =	ssyncset.done $0x0  }
0x1eb: {  	s30 =	simm.s32 $0xFFFFFE00;
	[sflag:s22] =	ssyncadd.s32 $0xFFFFFBF8  }
0x1ec: {  	v13 =	vld [tilespmem:s30+$0xF50]  }
0x1ed: {  	v6 =	vld [tilespmem:s30+$0x1750]  }
0x1ee: {  	v5 =	vld [tilespmem:s30+$0x950]  }
0x1ef: {  	v18 =	vld [tilespmem:s30+$0xD50]  }
0x1f0: {  	v15 =	vld [tilespmem:s30+$0x2958]  }
0x1f1: {  	v24 =	vld [tilespmem:s30+$0x2B58]  }
0x1f2: {  	v7 =	vld [tilespmem:s30+$0xB50]  }
0x1f3: {  	v12 =	vld [tilespmem:s30+$0x1350]  }
0x1f4: {  	v20 =	vld [tilespmem:s30+$0x1550]  }
0x1f5: {  	v22 =	vld [tilespmem:s30+$0x1150];
	v25 =	vmul.f32 v5, v15;
	v8 =	vmul.f32 v6, v15  }
0x1f6: {  	s31 =	simm.s32 $0xFFFFFE10;
	v14 =	vmul.f32 v5, v24;
	v26 =	vmul.f32 v18, v15  }
0x1f7: {  	v10 =	vld [tilespmem:s31+$0xF50];
	v19 =	vmul.f32 v7, v15;
	v7 =	vmul.f32 v7, v24  }
0x1f8: {  	v9 =	vld [tilespmem:s31+$0x1350];
	v23 =	vmul.f32 v13, v24;
	v21 =	vmul.f32 v12, v15  }
0x1f9: {  	v11 =	vimm.f32 $0.0e+00;
	v28 =	vld [tilespmem:s31+$0x950];
	v29 =	vmul.f32 v12, v24;
	v30 =	vmul.f32 v20, v15  }
0x1fa: {  	v31 =	vld [tilespmem:s31+$0xD50];
	v6 =	vmul.f32 v6, v24;
	v27 =	vmul.f32 v22, v24;
	v5 =	vadd.f32 v8, v11  }
0x1fb: {  	v32 =	vld [tilespmem:s31+$0xB50];
	v33 =	vmul.f32 v13, v15;
	v17 =	vadd.f32 v14, v11;
	v16 =	vadd.f32 v7, v11  }
0x1fc: {  	v34 =	vmul.f32 v18, v24;
	v14 =	vld [tilespmem:s31+$0x1750];
	v19 =	vadd.f32 v19, v11;
	v12 =	vadd.f32 v21, v11  }
0x1fd: {  	v7 =	vmul.f32 v20, v24;
	v21 =	vld [tilespmem:s31+$0x2958];
	v20 =	vadd.f32 v26, v11;
	v6 =	vadd.f32 v6, v11  }
0x1fe: {  	v26 =	vmul.f32 v22, v15;
	v22 =	vld [tilespmem:s31+$0x2B58];
	v15 =	vadd.f32 v29, v11;
	v13 =	vadd.f32 v30, v11  }
0x1ff: {  	v8 =	vld [tilespmem:s31+$0x1550];
	v30 =	vadd.f32 v25, v11;
	v25 =	vimm.f32 $0.0e+00;
	v24 =	vimm.f32 $0.0e+00  }
0x200: {  	s28 =	simm.s32 $0xFFFFF880;
	v29 =	vimm.f32 $0.0e+00;
	v7 =	vadd.f32 v7, v11;
	v18 =	vadd.f32 v26, v11;
	v26 =	vld [tilespmem:s31+$0x1150]  }
.LBB2_11:
0x201: {  	s0 =	sshra.s32 s28, $0x2;
	p1 =	sne.s32 s28, $0xFFFFFFC0;
	s28 =	sadd.s32 $0x40, s28;
	v11 =	vadd.f32 v33, v11;
	v25 =	vadd.f32 v23, v25;
	v35 =	vmov v31  }
0x202: {  	v37 =	vmul.f32 v28, v21;
	v23 =	vmul.f32 v14, v21;
	v24 =	vadd.f32 v27, v24;
	v33 =	vmovc v21;
	v36 =	vld [tilespmem:s0+$0xF50]  }
0x203: {  	v21 =	vmul.f32 v28, v22;
	v29 =	vadd.f32 v34, v29;
	v34 =	vmovc v22;
	v39 =	vmul.f32 v35, v33;
	v38 =	vld [tilespmem:s0+$0x1350]  }
0x204: {  	v22 =	vmul.f32 v32, v33;
	v27 =	vmul.f32 v32, v34;
	v5 =	vadd.f32 v23, v5;
	v40 =	vld [tilespmem:s0+$0x1550]  }
0x205: {  	v32 =	vmul.f32 v9, v33;
	v17 =	vadd.f32 v21, v17;
	v23 =	vmul.f32 v10, v34;
	v41 =	vld [tilespmem:s0+$0x1750]  }
0x206: {  	v42 =	vmul.f32 v9, v34;
	v44 =	vmul.f32 v8, v34;
	v16 =	vadd.f32 v27, v16;
	v28 =	vld [tilespmem:s0+$0x950]  }
.Ltmp7:
0x207: {  	v43 =	vmul.f32 v8, v33;
	v45 =	vmul.f32 v14, v34;
	v19 =	vadd.f32 v22, v19;
	v31 =	vld [tilespmem:s0+$0xD50];
	(pc) =	sbr.rel @p1 .LBB2_11-.Ltmp7, $4  }
0x208: {  	v27 =	vmul.f32 v26, v34;
	v12 =	vadd.f32 v32, v12;
	v7 =	vadd.f32 v44, v7;
	v21 =	vld [tilespmem:s0+$0x2958];
	v9 =	vmovc v38  }
0x209: {  	v20 =	vadd.f32 v39, v20;
	v6 =	vadd.f32 v45, v6;
	v38 =	vmul.f32 v26, v33;
	v22 =	vld [tilespmem:s0+$0x2B58];
	v8 =	vmovc v40  }
0x20a: {  	v15 =	vadd.f32 v42, v15;
	v13 =	vadd.f32 v43, v13;
	v33 =	vmul.f32 v10, v33;
	v10 =	vmovc v36;
	v32 =	vld [tilespmem:s0+$0xB50]  }
0x20b: {  	v30 =	vadd.f32 v37, v30;
	v34 =	vmul.f32 v35, v34;
	v18 =	vadd.f32 v38, v18;
	v14 =	vmovc v41;
	v26 =	vld [tilespmem:s0+$0x1150]  }
.Ltmp8:
0x20c: {  	_ = 	snop;
	(pc) =	sbr.rel .LBB2_12-.Ltmp8, $1  }
0x20d: {  	_ =	sdelay $0x3  }
.LBB2_14:
0x20e: {  	_ =	sfence.sel $0x180000  }
0x20f: {  	[bflag:$0x0] =	sbarrier.arrive $0xFFFF  }
0x210: {  	_ =	strace $0x90000047  }
0x211: {  	[bflag:$0x2] =	sbarrier.arrive $0xFFFF  }
0x212: {  	s0 =	rddreg [dreg:$0x6]  }
0x213: {  	s0 =	sadd.s32 @!p0 $0x100000, s0  }
0x214: {  	[sflag:s0] =	ssyncadd.tile.s32 @!p0 $0x1;
	_ =	shalt  }
.Lfunc_end2:
_tile_overlayer_lowered:
.L_overlay_start_2:
0x215: {  	(tag) =	ssettag $0x2  }
0x216: {  	s0 =	rddreg [dreg:$0x0];
	s2 =	stileid.u32  }
0x217: {  	s1 =	rddreg [dreg:$0x1];
	p0 =	sne.s32 s2, $0x0  }
0x218: {  	s3 =	rddreg [dreg:$0x2];
	[bflag:$0x3] =	sbarrier.arrive $0xFFFF;
	s2 =	simm.s32 @!p0 $0x1C03  }
0x219: {  	[timem:s3], [sflag:s2] =	dma.local @!p0 [hbm:s0], s1  }
0x21a: {  	s0 =	simm.s32 @!p0 $0x3  }
0x21b: {  	_ =	swait.ge @!p0 [sflag:s0], s1  }
0x21c: {  	s1 =	ssub.s32 @!p0 $0x0, s1;
	[sflag:s0] =	ssyncset.done @!p0 $0x0  }
0x21d: {  	[sflag:s0] =	ssyncadd.s32 @!p0 s1  }
0x21e: {  	[bflag:$0x3] =	sbarrier.arrive $0xFFFF  }
0x21f: {  	_ =	shalt  }

</sc_bundles>
